<compile_context>
chip_gen: v7x
topology: tpu7x:2x2x1
jax: 0.10.2.dev20260603
libtpu: 0.0.44.dev20260713+nightly
codegen_flags: <defaults>
</compile_context>

<pallas_src>
import functools

import jax
import jax.numpy as jnp
from jax import lax
from jax.experimental import pallas as pl
from jax.experimental.pallas import tpu as pltpu
from jax.experimental.pallas import tpu_sc as plsc

HIDDEN = 64
NC = 2
NS = 16
NW = NC * NS
CHUNK = 128


@functools.lru_cache(maxsize=None)
def _build(N):
    n_w = N // NW
    n_chunks = n_w // CHUNK
    n_pairs = n_chunks // 2
    mesh = plsc.VectorSubcoreMesh(core_axis_name="c", subcore_axis_name="s")

    row_buf = pltpu.VMEM((CHUNK, HIDDEN), jnp.float32)

    @functools.partial(
        pl.kernel,
        mesh=mesh,
        compiler_params=pltpu.CompilerParams(use_tc_tiling_on_sc=False),
        out_type=jax.ShapeDtypeStruct((N, HIDDEN), jnp.float32),
        scratch_types=[
            pltpu.VMEM((n_w,), jnp.int32),
            pltpu.VMEM((n_w,), jnp.int32),
            pltpu.VMEM((n_w,), jnp.int32),
            pltpu.VMEM((HIDDEN,), jnp.float32),
            [row_buf] * 4,
            [row_buf] * 4,
            [pltpu.SemaphoreType.DMA] * 4,
        ],
    )
    def k(tok_i_hbm, pos_i_hbm, turn_i_hbm,
          tok_t_hbm, pos_t_hbm, turn_t_hbm, te_hbm,
          out_hbm,
          tok_idx, pos_idx, turn_idx, te_v, slot_a, slot_b, sems):
        wid = lax.axis_index("s") * NC + lax.axis_index("c")
        base = wid * n_w
        pltpu.sync_copy(tok_i_hbm.at[pl.ds(base, n_w)], tok_idx)
        pltpu.sync_copy(pos_i_hbm.at[pl.ds(base, n_w)], pos_idx)
        pltpu.sync_copy(turn_i_hbm.at[pl.ds(base, n_w)], turn_idx)
        pltpu.sync_copy(te_hbm, te_v)
        g_sem = sems[:2]
        s_sem = sems[2:]
        slots = (slot_a, slot_b)

        def issue3(s, g):
            tokv, posv, turnv, _ = slots[s]
            off = g * CHUNK
            pltpu.async_copy(tok_t_hbm.at[tok_idx.at[pl.ds(off, CHUNK)]],
                             tokv, g_sem[s])
            pltpu.async_copy(pos_t_hbm.at[pos_idx.at[pl.ds(off, CHUNK)]],
                             posv, g_sem[s])
            pltpu.async_copy(turn_t_hbm.at[turn_idx.at[pl.ds(off, CHUNK)]],
                             turnv, g_sem[s])

        def drain_gathers(s):
            for buf in slots[s][:3]:
                pltpu.make_async_copy(out_hbm.at[pl.ds(0, CHUNK)],
                                      buf, g_sem[s]).wait()

        def drain_store(s):
            pltpu.make_async_copy(slots[s][3], out_hbm.at[pl.ds(0, CHUNK)],
                                  s_sem[s]).wait()

        def compute(s):
            tokv, posv, turnv, accv = slots[s]
            te = tuple(te_v[pl.ds(j * 16, 16)] for j in range(HIDDEN // 16))

            @plsc.parallel_loop(0, CHUNK, unroll=8, carry=te)
            def _row_body(i, te_c):
                for j in range(HIDDEN // 16):
                    sl = pl.ds(j * 16, 16)
                    accv[i, sl] = (tokv[i, sl] + posv[i, sl]
                                   + turnv[i, sl] + te_c[j])
                return te_c

        def store(s, g):
            pltpu.async_copy(slots[s][3],
                             out_hbm.at[pl.ds(base + g * CHUNK, CHUNK)],
                             s_sem[s])

        issue3(0, 0)
        issue3(1, 1)

        def pair_body(kk, carry):
            for s in range(2):
                g = 2 * kk + s
                drain_gathers(s)

                @pl.when(kk > 0)
                def _():
                    drain_store(s)

                compute(s)

                @pl.when(kk < n_pairs - 1)
                def _():
                    issue3(s, g + 2)

                store(s, g)
            return carry

        lax.fori_loop(0, n_pairs, pair_body, 0)
        drain_store(0)
        drain_store(1)

    return k


def kernel(token_inp, pos_inp, turn_inp, token_table, pos_table, turn_table,
           text_embedding):
    B, L = token_inp.shape
    N = B * L
    out = _build(N)(
        token_inp.reshape(N), pos_inp.reshape(N), turn_inp.reshape(N),
        token_table, pos_table, turn_table, text_embedding)
    return out.reshape(B, L, HIDDEN)

# --- scband reference (transcript-rebuilt; emitter-appended) ---
"""Pipeline reference for scband-text-embedder-36558761624491 (READ-ONLY COPY).

The authoritative reference and input builder live on the scoring server;
editing this copy changes nothing except your own understanding.
"""

import jax, jax.numpy as jnp
import numpy as np

HIDDEN = 64
NUM_TOK = 1000000
NUM_POS = 512
NUM_TURN = 64
B, L = 1024, 200

def setup_inputs(seed: int = 0) -> dict:
    key = jax.random.key(seed)
    ks = jax.random.split(key, 7)
    token_inp = jax.random.randint(ks[0], (B, L), 0, NUM_TOK, dtype=jnp.int32)
    pos_inp = jax.random.randint(ks[1], (B, L), 0, NUM_POS, dtype=jnp.int32)
    turn_inp = jax.random.randint(ks[2], (B, L), 0, NUM_TURN, dtype=jnp.int32)
    # xavier-uniform-like init for embedding tables
    def xavier(k, shape):
        bound = np.sqrt(6.0 / (shape[0] + shape[1]))
        return jax.random.uniform(k, shape, dtype=jnp.float32, minval=-bound, maxval=bound)
    token_table = xavier(ks[3], (NUM_TOK, HIDDEN))
    pos_table = xavier(ks[4], (NUM_POS, HIDDEN))
    turn_table = xavier(ks[5], (NUM_TURN, HIDDEN))
    text_embedding = jax.random.normal(ks[6], (HIDDEN,), dtype=jnp.float32) * 0.02
    return {
        "token_inp": token_inp,
        "pos_inp": pos_inp,
        "turn_inp": turn_inp,
        "token_table": token_table,
        "pos_table": pos_table,
        "turn_table": turn_table,
        "text_embedding": text_embedding,
    }

def reference(token_inp, pos_inp, turn_inp, token_table, pos_table, turn_table, text_embedding):
    # token + positional embeddings + learned text-type bias
    embed = jnp.take(token_table, token_inp, axis=0) \
        + jnp.take(pos_table, pos_inp, axis=0) \
        + text_embedding
    # use_turn=True path
    embed = embed + jnp.take(turn_table, turn_inp, axis=0)
    # dropout is identity at inference
    return embed

if __name__ == "__main__":
    import jax
    _d = setup_inputs()
    print(jax.jit(kernel)(*tuple(_d.values())))

</pallas_src>

<mosaic_0001>
#map = affine_map<(d0, d1) -> (0)>
#map1 = affine_map<(d0, d1) -> (0, 0)>
module attributes {stable_mosaic.version = 14 : i64} {
  func.func @k(%arg0: i32, %arg1: i32, %arg2: memref<204800xi32, #tpu.memory_space<hbm>>, %arg3: memref<204800xi32, #tpu.memory_space<hbm>>, %arg4: memref<204800xi32, #tpu.memory_space<hbm>>, %arg5: memref<1000000x64xf32, #tpu.memory_space<hbm>>, %arg6: memref<512x64xf32, #tpu.memory_space<hbm>>, %arg7: memref<64x64xf32, #tpu.memory_space<hbm>>, %arg8: memref<64xf32, #tpu.memory_space<hbm>>, %arg9: memref<204800x64xf32, #tpu.memory_space<hbm>>, %arg10: memref<6400xi32, #tpu.memory_space<vmem>>, %arg11: memref<6400xi32, #tpu.memory_space<vmem>>, %arg12: memref<6400xi32, #tpu.memory_space<vmem>>, %arg13: memref<64xf32, #tpu.memory_space<vmem>>, %arg14: memref<128x64xf32, #tpu.memory_space<vmem>>, %arg15: memref<128x64xf32, #tpu.memory_space<vmem>>, %arg16: memref<128x64xf32, #tpu.memory_space<vmem>>, %arg17: memref<128x64xf32, #tpu.memory_space<vmem>>, %arg18: memref<128x64xf32, #tpu.memory_space<vmem>>, %arg19: memref<128x64xf32, #tpu.memory_space<vmem>>, %arg20: memref<128x64xf32, #tpu.memory_space<vmem>>, %arg21: memref<128x64xf32, #tpu.memory_space<vmem>>, %arg22: memref<!tpu.dma_semaphore, #tpu.memory_space<semaphore_mem>>, %arg23: memref<!tpu.dma_semaphore, #tpu.memory_space<semaphore_mem>>, %arg24: memref<!tpu.dma_semaphore, #tpu.memory_space<semaphore_mem>>, %arg25: memref<!tpu.dma_semaphore, #tpu.memory_space<semaphore_mem>>) attributes {dimension_semantics = [#tpu.dimension_semantics<core_parallel>, #tpu.dimension_semantics<subcore_parallel>], iteration_bounds = array<i64: 2, 16>, scalar_prefetch = 0 : i64, scratch_operands = 16 : i64, tpu.core_type = #tpu.core_type<sc_vector_subcore>, window_params = [{transform_indices = #map}, {transform_indices = #map}, {transform_indices = #map}, {transform_indices = #map1}, {transform_indices = #map1}, {transform_indices = #map1}, {transform_indices = #map}, {transform_indices = #map1}]} {
    %mul3A = arith.constant 2 : i32
    %mul3A_0 = arith.muli %arg1, %mul3A : i32
    %add3A = arith.addi %mul3A_0, %arg0 : i32
    %mul3A_1 = arith.constant 6400 : i32
    %mul3A_2 = arith.muli %add3A, %mul3A_1 : i32
    "tpu.region"() ({
      %run_scoped3A = tpu.sem_alloc : memref<!tpu.dma_semaphore, #tpu.memory_space<semaphore_mem>>
      %dma_start3A_48 = tpu.memref_slice %arg2[%mul3A_2] : memref<204800xi32, #tpu.memory_space<hbm>> -> memref<6400xi32, #tpu.memory_space<hbm>>
      %dma_start3A_49 = tpu.memref_slice %arg2[%mul3A_2] : memref<204800xi32, #tpu.memory_space<hbm>> -> memref<6400xi32, #tpu.memory_space<hbm>>
      tpu.enqueue_dma source(%dma_start3A_49 : memref<6400xi32, #tpu.memory_space<hbm>>) target(%arg10 : memref<6400xi32, #tpu.memory_space<vmem>>) target_semaphore(%run_scoped3A : memref<!tpu.dma_semaphore, #tpu.memory_space<semaphore_mem>>)
      %dma_wait3A_50 = tpu.memref_slice %arg2[%mul3A_2] : memref<204800xi32, #tpu.memory_space<hbm>> -> memref<6400xi32, #tpu.memory_space<hbm>>
      %dma_wait3A_51 = tpu.memref_slice %arg2[%mul3A_2] : memref<204800xi32, #tpu.memory_space<hbm>> -> memref<6400xi32, #tpu.memory_space<hbm>>
      tpu.wait_dma2 semaphore(%run_scoped3A : memref<!tpu.dma_semaphore, #tpu.memory_space<semaphore_mem>>) src(%dma_wait3A_51 : memref<6400xi32, #tpu.memory_space<hbm>>) dst(%arg10 : memref<6400xi32, #tpu.memory_space<vmem>>)
      tpu.yield
    }) : () -> ()
    "tpu.region"() ({
      %run_scoped3A = tpu.sem_alloc : memref<!tpu.dma_semaphore, #tpu.memory_space<semaphore_mem>>
      %dma_start3A_48 = tpu.memref_slice %arg3[%mul3A_2] : memref<204800xi32, #tpu.memory_space<hbm>> -> memref<6400xi32, #tpu.memory_space<hbm>>
      %dma_start3A_49 = tpu.memref_slice %arg3[%mul3A_2] : memref<204800xi32, #tpu.memory_space<hbm>> -> memref<6400xi32, #tpu.memory_space<hbm>>
      tpu.enqueue_dma source(%dma_start3A_49 : memref<6400xi32, #tpu.memory_space<hbm>>) target(%arg11 : memref<6400xi32, #tpu.memory_space<vmem>>) target_semaphore(%run_scoped3A : memref<!tpu.dma_semaphore, #tpu.memory_space<semaphore_mem>>)
      %dma_wait3A_50 = tpu.memref_slice %arg3[%mul3A_2] : memref<204800xi32, #tpu.memory_space<hbm>> -> memref<6400xi32, #tpu.memory_space<hbm>>
      %dma_wait3A_51 = tpu.memref_slice %arg3[%mul3A_2] : memref<204800xi32, #tpu.memory_space<hbm>> -> memref<6400xi32, #tpu.memory_space<hbm>>
      tpu.wait_dma2 semaphore(%run_scoped3A : memref<!tpu.dma_semaphore, #tpu.memory_space<semaphore_mem>>) src(%dma_wait3A_51 : memref<6400xi32, #tpu.memory_space<hbm>>) dst(%arg11 : memref<6400xi32, #tpu.memory_space<vmem>>)
      tpu.yield
    }) : () -> ()
    "tpu.region"() ({
      %run_scoped3A = tpu.sem_alloc : memref<!tpu.dma_semaphore, #tpu.memory_space<semaphore_mem>>
      %dma_start3A_48 = tpu.memref_slice %arg4[%mul3A_2] : memref<204800xi32, #tpu.memory_space<hbm>> -> memref<6400xi32, #tpu.memory_space<hbm>>
      %dma_start3A_49 = tpu.memref_slice %arg4[%mul3A_2] : memref<204800xi32, #tpu.memory_space<hbm>> -> memref<6400xi32, #tpu.memory_space<hbm>>
      tpu.enqueue_dma source(%dma_start3A_49 : memref<6400xi32, #tpu.memory_space<hbm>>) target(%arg12 : memref<6400xi32, #tpu.memory_space<vmem>>) target_semaphore(%run_scoped3A : memref<!tpu.dma_semaphore, #tpu.memory_space<semaphore_mem>>)
      %dma_wait3A_50 = tpu.memref_slice %arg4[%mul3A_2] : memref<204800xi32, #tpu.memory_space<hbm>> -> memref<6400xi32, #tpu.memory_space<hbm>>
      %dma_wait3A_51 = tpu.memref_slice %arg4[%mul3A_2] : memref<204800xi32, #tpu.memory_space<hbm>> -> memref<6400xi32, #tpu.memory_space<hbm>>
      tpu.wait_dma2 semaphore(%run_scoped3A : memref<!tpu.dma_semaphore, #tpu.memory_space<semaphore_mem>>) src(%dma_wait3A_51 : memref<6400xi32, #tpu.memory_space<hbm>>) dst(%arg12 : memref<6400xi32, #tpu.memory_space<vmem>>)
      tpu.yield
    }) : () -> ()
    "tpu.region"() ({
      %run_scoped3A = tpu.sem_alloc : memref<!tpu.dma_semaphore, #tpu.memory_space<semaphore_mem>>
      tpu.enqueue_dma source(%arg8 : memref<64xf32, #tpu.memory_space<hbm>>) target(%arg13 : memref<64xf32, #tpu.memory_space<vmem>>) target_semaphore(%run_scoped3A : memref<!tpu.dma_semaphore, #tpu.memory_space<semaphore_mem>>)
      tpu.wait_dma2 semaphore(%run_scoped3A : memref<!tpu.dma_semaphore, #tpu.memory_space<semaphore_mem>>) src(%arg8 : memref<64xf32, #tpu.memory_space<hbm>>) dst(%arg13 : memref<64xf32, #tpu.memory_space<vmem>>)
      tpu.yield
    }) : () -> ()
    %dma_start3A = arith.constant 0 : i32
    %dma_start3A_3 = tpu.memref_slice %arg10[%dma_start3A] : memref<6400xi32, #tpu.memory_space<vmem>> -> memref<128xi32, #tpu.memory_space<vmem>>
    %dma_start3A_4 = arith.constant 0 : i32
    %dma_start3A_5 = arith.constant 0 : i32
    %dma_start3A_6 = tpu.memref_slice %arg5[%dma_start3A_4, %dma_start3A_5] : memref<1000000x64xf32, #tpu.memory_space<hbm>> -> memref<1000000x64xf32, #tpu.memory_space<hbm>>
    tpu.enqueue_indirect_dma source(%dma_start3A_6 : memref<1000000x64xf32, #tpu.memory_space<hbm>>) target(%arg14 : memref<128x64xf32, #tpu.memory_space<vmem>>) offsets(%dma_start3A_3 : memref<128xi32, #tpu.memory_space<vmem>>) semaphore(%arg22 : memref<!tpu.dma_semaphore, #tpu.memory_space<semaphore_mem>>)
    %dma_start3A_7 = arith.constant 0 : i32
    %dma_start3A_8 = tpu.memref_slice %arg11[%dma_start3A_7] : memref<6400xi32, #tpu.memory_space<vmem>> -> memref<128xi32, #tpu.memory_space<vmem>>
    %dma_start3A_9 = arith.constant 0 : i32
    %dma_start3A_10 = arith.constant 0 : i32
    %dma_start3A_11 = tpu.memref_slice %arg6[%dma_start3A_9, %dma_start3A_10] : memref<512x64xf32, #tpu.memory_space<hbm>> -> memref<512x64xf32, #tpu.memory_space<hbm>>
    tpu.enqueue_indirect_dma source(%dma_start3A_11 : memref<512x64xf32, #tpu.memory_space<hbm>>) target(%arg15 : memref<128x64xf32, #tpu.memory_space<vmem>>) offsets(%dma_start3A_8 : memref<128xi32, #tpu.memory_space<vmem>>) semaphore(%arg22 : memref<!tpu.dma_semaphore, #tpu.memory_space<semaphore_mem>>)
    %dma_start3A_12 = arith.constant 0 : i32
    %dma_start3A_13 = tpu.memref_slice %arg12[%dma_start3A_12] : memref<6400xi32, #tpu.memory_space<vmem>> -> memref<128xi32, #tpu.memory_space<vmem>>
    %dma_start3A_14 = arith.constant 0 : i32
    %dma_start3A_15 = arith.constant 0 : i32
    %dma_start3A_16 = tpu.memref_slice %arg7[%dma_start3A_14, %dma_start3A_15] : memref<64x64xf32, #tpu.memory_space<hbm>> -> memref<64x64xf32, #tpu.memory_space<hbm>>
    tpu.enqueue_indirect_dma source(%dma_start3A_16 : memref<64x64xf32, #tpu.memory_space<hbm>>) target(%arg16 : memref<128x64xf32, #tpu.memory_space<vmem>>) offsets(%dma_start3A_13 : memref<128xi32, #tpu.memory_space<vmem>>) semaphore(%arg22 : memref<!tpu.dma_semaphore, #tpu.memory_space<semaphore_mem>>)
    %dma_start3A_17 = arith.constant 128 : i32
    %dma_start3A_18 = tpu.memref_slice %arg10[%dma_start3A_17] : memref<6400xi32, #tpu.memory_space<vmem>> -> memref<128xi32, #tpu.memory_space<vmem>>
    %dma_start3A_19 = arith.constant 0 : i32
    %dma_start3A_20 = arith.constant 0 : i32
    %dma_start3A_21 = tpu.memref_slice %arg5[%dma_start3A_19, %dma_start3A_20] : memref<1000000x64xf32, #tpu.memory_space<hbm>> -> memref<1000000x64xf32, #tpu.memory_space<hbm>>
    tpu.enqueue_indirect_dma source(%dma_start3A_21 : memref<1000000x64xf32, #tpu.memory_space<hbm>>) target(%arg18 : memref<128x64xf32, #tpu.memory_space<vmem>>) offsets(%dma_start3A_18 : memref<128xi32, #tpu.memory_space<vmem>>) semaphore(%arg23 : memref<!tpu.dma_semaphore, #tpu.memory_space<semaphore_mem>>)
    %dma_start3A_22 = arith.constant 128 : i32
    %dma_start3A_23 = tpu.memref_slice %arg11[%dma_start3A_22] : memref<6400xi32, #tpu.memory_space<vmem>> -> memref<128xi32, #tpu.memory_space<vmem>>
    %dma_start3A_24 = arith.constant 0 : i32
    %dma_start3A_25 = arith.constant 0 : i32
    %dma_start3A_26 = tpu.memref_slice %arg6[%dma_start3A_24, %dma_start3A_25] : memref<512x64xf32, #tpu.memory_space<hbm>> -> memref<512x64xf32, #tpu.memory_space<hbm>>
    tpu.enqueue_indirect_dma source(%dma_start3A_26 : memref<512x64xf32, #tpu.memory_space<hbm>>) target(%arg19 : memref<128x64xf32, #tpu.memory_space<vmem>>) offsets(%dma_start3A_23 : memref<128xi32, #tpu.memory_space<vmem>>) semaphore(%arg23 : memref<!tpu.dma_semaphore, #tpu.memory_space<semaphore_mem>>)
    %dma_start3A_27 = arith.constant 128 : i32
    %dma_start3A_28 = tpu.memref_slice %arg12[%dma_start3A_27] : memref<6400xi32, #tpu.memory_space<vmem>> -> memref<128xi32, #tpu.memory_space<vmem>>
    %dma_start3A_29 = arith.constant 0 : i32
    %dma_start3A_30 = arith.constant 0 : i32
    %dma_start3A_31 = tpu.memref_slice %arg7[%dma_start3A_29, %dma_start3A_30] : memref<64x64xf32, #tpu.memory_space<hbm>> -> memref<64x64xf32, #tpu.memory_space<hbm>>
    tpu.enqueue_indirect_dma source(%dma_start3A_31 : memref<64x64xf32, #tpu.memory_space<hbm>>) target(%arg20 : memref<128x64xf32, #tpu.memory_space<vmem>>) offsets(%dma_start3A_28 : memref<128xi32, #tpu.memory_space<vmem>>) semaphore(%arg23 : memref<!tpu.dma_semaphore, #tpu.memory_space<semaphore_mem>>)
    %scan3A = arith.constant 0 : i32
    %scan3A_32 = arith.constant 0 : i32
    %scan3A_33 = arith.constant 25 : i32
    %scan3A_34 = arith.addi %scan3A_32, %scan3A_33 : i32
    %scan3A_35 = arith.constant 1 : i32
    scf.for %scan3A_48 = %scan3A_32 to %scan3A_34 step %scan3A_35  : i32 {
      %mul3A_49 = arith.constant 2 : i32
      %mul3A_50 = arith.muli %mul3A_49, %scan3A_48 : i32
      %add3A_51 = arith.constant 0 : i32
      %add3A_52 = arith.addi %mul3A_50, %add3A_51 : i32
      %dma_wait3A_53 = arith.constant 0 : i32
      %dma_wait3A_54 = arith.constant 0 : i32
      %dma_wait3A_55 = tpu.memref_slice %arg9[%dma_wait3A_53, %dma_wait3A_54] : memref<204800x64xf32, #tpu.memory_space<hbm>> -> memref<128x64xf32, #tpu.memory_space<hbm>>
      %dma_wait3A_56 = arith.constant 0 : i32
      %dma_wait3A_57 = arith.constant 0 : i32
      %dma_wait3A_58 = tpu.memref_slice %arg9[%dma_wait3A_56, %dma_wait3A_57] : memref<204800x64xf32, #tpu.memory_space<hbm>> -> memref<128x64xf32, #tpu.memory_space<hbm>>
      tpu.wait_dma2 semaphore(%arg22 : memref<!tpu.dma_semaphore, #tpu.memory_space<semaphore_mem>>) src(%dma_wait3A_58 : memref<128x64xf32, #tpu.memory_space<hbm>>) dst(%arg14 : memref<128x64xf32, #tpu.memory_space<vmem>>)
      %dma_wait3A_59 = arith.constant 0 : i32
      %dma_wait3A_60 = arith.constant 0 : i32
      %dma_wait3A_61 = tpu.memref_slice %arg9[%dma_wait3A_59, %dma_wait3A_60] : memref<204800x64xf32, #tpu.memory_space<hbm>> -> memref<128x64xf32, #tpu.memory_space<hbm>>
      %dma_wait3A_62 = arith.constant 0 : i32
      %dma_wait3A_63 = arith.constant 0 : i32
      %dma_wait3A_64 = tpu.memref_slice %arg9[%dma_wait3A_62, %dma_wait3A_63] : memref<204800x64xf32, #tpu.memory_space<hbm>> -> memref<128x64xf32, #tpu.memory_space<hbm>>
      tpu.wait_dma2 semaphore(%arg22 : memref<!tpu.dma_semaphore, #tpu.memory_space<semaphore_mem>>) src(%dma_wait3A_64 : memref<128x64xf32, #tpu.memory_space<hbm>>) dst(%arg15 : memref<128x64xf32, #tpu.memory_space<vmem>>)
      %dma_wait3A_65 = arith.constant 0 : i32
      %dma_wait3A_66 = arith.constant 0 : i32
      %dma_wait3A_67 = tpu.memref_slice %arg9[%dma_wait3A_65, %dma_wait3A_66] : memref<204800x64xf32, #tpu.memory_space<hbm>> -> memref<128x64xf32, #tpu.memory_space<hbm>>
      %dma_wait3A_68 = arith.constant 0 : i32
      %dma_wait3A_69 = arith.constant 0 : i32
      %dma_wait3A_70 = tpu.memref_slice %arg9[%dma_wait3A_68, %dma_wait3A_69] : memref<204800x64xf32, #tpu.memory_space<hbm>> -> memref<128x64xf32, #tpu.memory_space<hbm>>
      tpu.wait_dma2 semaphore(%arg22 : memref<!tpu.dma_semaphore, #tpu.memory_space<semaphore_mem>>) src(%dma_wait3A_70 : memref<128x64xf32, #tpu.memory_space<hbm>>) dst(%arg16 : memref<128x64xf32, #tpu.memory_space<vmem>>)
      %gt3A = arith.constant 0 : i32
      %gt3A_71 = arith.cmpi sgt, %scan3A_48, %gt3A : i32
      %convert_element_type3A = arith.extui %gt3A_71 : i1 to i32
      %cond3A = arith.constant 0 : i32
      %cond3A_72 = arith.cmpi ne, %convert_element_type3A, %cond3A : i32
      scf.if %cond3A_72 {
        %dma_wait3A_153 = arith.constant 0 : i32
        %dma_wait3A_154 = arith.constant 0 : i32
        %dma_wait3A_155 = tpu.memref_slice %arg9[%dma_wait3A_153, %dma_wait3A_154] : memref<204800x64xf32, #tpu.memory_space<hbm>> -> memref<128x64xf32, #tpu.memory_space<hbm>>
        %dma_wait3A_156 = arith.constant 0 : i32
        %dma_wait3A_157 = arith.constant 0 : i32
        %dma_wait3A_158 = tpu.memref_slice %arg9[%dma_wait3A_156, %dma_wait3A_157] : memref<204800x64xf32, #tpu.memory_space<hbm>> -> memref<128x64xf32, #tpu.memory_space<hbm>>
        tpu.wait_dma2 semaphore(%arg24 : memref<!tpu.dma_semaphore, #tpu.memory_space<semaphore_mem>>) src(%arg17 : memref<128x64xf32, #tpu.memory_space<vmem>>) dst(%dma_wait3A_158 : memref<128x64xf32, #tpu.memory_space<hbm>>)
      } else {
      }
      %get3A = arith.constant 0 : index
      %get3A_73 = tpu.vector_load %arg13[%get3A] {strides = array<i32>} : memref<64xf32, #tpu.memory_space<vmem>>, vector<16xf32>,
      %get3A_74 = vector.shape_cast %get3A_73 : vector<16xf32> to vector<16xf32>
      %get3A_75 = arith.constant 16 : index
      %get3A_76 = tpu.vector_load %arg13[%get3A_75] {strides = array<i32>} : memref<64xf32, #tpu.memory_space<vmem>>, vector<16xf32>,
      %get3A_77 = vector.shape_cast %get3A_76 : vector<16xf32> to vector<16xf32>
      %get3A_78 = arith.constant 32 : index
      %get3A_79 = tpu.vector_load %arg13[%get3A_78] {strides = array<i32>} : memref<64xf32, #tpu.memory_space<vmem>>, vector<16xf32>,
      %get3A_80 = vector.shape_cast %get3A_79 : vector<16xf32> to vector<16xf32>
      %get3A_81 = arith.constant 48 : index
      %get3A_82 = tpu.vector_load %arg13[%get3A_81] {strides = array<i32>} : memref<64xf32, #tpu.memory_space<vmem>>, vector<16xf32>,
      %get3A_83 = vector.shape_cast %get3A_82 : vector<16xf32> to vector<16xf32>
      %parallel_loop3A = arith.constant 0 : i32
      %parallel_loop3A_84 = arith.constant 128 : i32
      %parallel_loop3A_85 = arith.constant 1 : i32
      %parallel_loop3A_86:4 = scf.for %parallel_loop3A_153 = %parallel_loop3A to %parallel_loop3A_84 step %parallel_loop3A_85 iter_args(%parallel_loop3A_154 = %get3A_74, %parallel_loop3A_155 = %get3A_77, %parallel_loop3A_156 = %get3A_80, %parallel_loop3A_157 = %get3A_83) -> (vector<16xf32>, vector<16xf32>, vector<16xf32>, vector<16xf32>)  : i32 {
        %parallel_loop3A_158 = arith.index_cast %parallel_loop3A_153 : i32 to index
        %parallel_loop3A_159 = arith.constant 0 : index
        %parallel_loop3A_160 = tpu.vector_load %arg14[%parallel_loop3A_158, %parallel_loop3A_159] {strides = array<i32>} : memref<128x64xf32, #tpu.memory_space<vmem>>, vector<1x16xf32>,
        %parallel_loop3A_161 = vector.shape_cast %parallel_loop3A_160 : vector<1x16xf32> to vector<16xf32>
        %parallel_loop3A_162 = arith.index_cast %parallel_loop3A_153 : i32 to index
        %parallel_loop3A_163 = arith.constant 0 : index
        %parallel_loop3A_164 = tpu.vector_load %arg15[%parallel_loop3A_162, %parallel_loop3A_163] {strides = array<i32>} : memref<128x64xf32, #tpu.memory_space<vmem>>, vector<1x16xf32>,
        %parallel_loop3A_165 = vector.shape_cast %parallel_loop3A_164 : vector<1x16xf32> to vector<16xf32>
        %parallel_loop3A_166 = arith.addf %parallel_loop3A_161, %parallel_loop3A_165 : vector<16xf32>
        %parallel_loop3A_167 = arith.index_cast %parallel_loop3A_153 : i32 to index
        %parallel_loop3A_168 = arith.constant 0 : index
        %parallel_loop3A_169 = tpu.vector_load %arg16[%parallel_loop3A_167, %parallel_loop3A_168] {strides = array<i32>} : memref<128x64xf32, #tpu.memory_space<vmem>>, vector<1x16xf32>,
        %parallel_loop3A_170 = vector.shape_cast %parallel_loop3A_169 : vector<1x16xf32> to vector<16xf32>
        %parallel_loop3A_171 = arith.addf %parallel_loop3A_166, %parallel_loop3A_170 : vector<16xf32>
        %parallel_loop3A_172 = arith.addf %parallel_loop3A_171, %parallel_loop3A_154 : vector<16xf32>
        %parallel_loop3A_173 = arith.index_cast %parallel_loop3A_153 : i32 to index
        %parallel_loop3A_174 = arith.constant 0 : index
        %parallel_loop3A_175 = tpu.vector_load %arg17[%parallel_loop3A_173, %parallel_loop3A_174] {strides = array<i32>} : memref<128x64xf32, #tpu.memory_space<vmem>>, vector<1x16xf32>,
        %parallel_loop3A_176 = vector.shape_cast %parallel_loop3A_175 : vector<1x16xf32> to vector<16xf32>
        %parallel_loop3A_177 = vector.shape_cast %parallel_loop3A_172 : vector<16xf32> to vector<1x16xf32>
        tpu.vector_store %arg17[%parallel_loop3A_173, %parallel_loop3A_174], %parallel_loop3A_177 {strides = array<i32>} : memref<128x64xf32, #tpu.memory_space<vmem>>, vector<1x16xf32>,
        %parallel_loop3A_178 = arith.index_cast %parallel_loop3A_153 : i32 to index
        %parallel_loop3A_179 = arith.constant 16 : index
        %parallel_loop3A_180 = tpu.vector_load %arg14[%parallel_loop3A_178, %parallel_loop3A_179] {strides = array<i32>} : memref<128x64xf32, #tpu.memory_space<vmem>>, vector<1x16xf32>,
        %parallel_loop3A_181 = vector.shape_cast %parallel_loop3A_180 : vector<1x16xf32> to vector<16xf32>
        %parallel_loop3A_182 = arith.index_cast %parallel_loop3A_153 : i32 to index
        %parallel_loop3A_183 = arith.constant 16 : index
        %parallel_loop3A_184 = tpu.vector_load %arg15[%parallel_loop3A_182, %parallel_loop3A_183] {strides = array<i32>} : memref<128x64xf32, #tpu.memory_space<vmem>>, vector<1x16xf32>,
        %parallel_loop3A_185 = vector.shape_cast %parallel_loop3A_184 : vector<1x16xf32> to vector<16xf32>
        %parallel_loop3A_186 = arith.addf %parallel_loop3A_181, %parallel_loop3A_185 : vector<16xf32>
        %parallel_loop3A_187 = arith.index_cast %parallel_loop3A_153 : i32 to index
        %parallel_loop3A_188 = arith.constant 16 : index
        %parallel_loop3A_189 = tpu.vector_load %arg16[%parallel_loop3A_187, %parallel_loop3A_188] {strides = array<i32>} : memref<128x64xf32, #tpu.memory_space<vmem>>, vector<1x16xf32>,
        %parallel_loop3A_190 = vector.shape_cast %parallel_loop3A_189 : vector<1x16xf32> to vector<16xf32>
        %parallel_loop3A_191 = arith.addf %parallel_loop3A_186, %parallel_loop3A_190 : vector<16xf32>
        %parallel_loop3A_192 = arith.addf %parallel_loop3A_191, %parallel_loop3A_155 : vector<16xf32>
        %parallel_loop3A_193 = arith.index_cast %parallel_loop3A_153 : i32 to index
        %parallel_loop3A_194 = arith.constant 16 : index
        %parallel_loop3A_195 = tpu.vector_load %arg17[%parallel_loop3A_193, %parallel_loop3A_194] {strides = array<i32>} : memref<128x64xf32, #tpu.memory_space<vmem>>, vector<1x16xf32>,
        %parallel_loop3A_196 = vector.shape_cast %parallel_loop3A_195 : vector<1x16xf32> to vector<16xf32>
        %parallel_loop3A_197 = vector.shape_cast %parallel_loop3A_192 : vector<16xf32> to vector<1x16xf32>
        tpu.vector_store %arg17[%parallel_loop3A_193, %parallel_loop3A_194], %parallel_loop3A_197 {strides = array<i32>} : memref<128x64xf32, #tpu.memory_space<vmem>>, vector<1x16xf32>,
        %parallel_loop3A_198 = arith.index_cast %parallel_loop3A_153 : i32 to index
        %parallel_loop3A_199 = arith.constant 32 : index
        %parallel_loop3A_200 = tpu.vector_load %arg14[%parallel_loop3A_198, %parallel_loop3A_199] {strides = array<i32>} : memref<128x64xf32, #tpu.memory_space<vmem>>, vector<1x16xf32>,
        %parallel_loop3A_201 = vector.shape_cast %parallel_loop3A_200 : vector<1x16xf32> to vector<16xf32>
        %parallel_loop3A_202 = arith.index_cast %parallel_loop3A_153 : i32 to index
        %parallel_loop3A_203 = arith.constant 32 : index
        %parallel_loop3A_204 = tpu.vector_load %arg15[%parallel_loop3A_202, %parallel_loop3A_203] {strides = array<i32>} : memref<128x64xf32, #tpu.memory_space<vmem>>, vector<1x16xf32>,
        %parallel_loop3A_205 = vector.shape_cast %parallel_loop3A_204 : vector<1x16xf32> to vector<16xf32>
        %parallel_loop3A_206 = arith.addf %parallel_loop3A_201, %parallel_loop3A_205 : vector<16xf32>
        %parallel_loop3A_207 = arith.index_cast %parallel_loop3A_153 : i32 to index
        %parallel_loop3A_208 = arith.constant 32 : index
        %parallel_loop3A_209 = tpu.vector_load %arg16[%parallel_loop3A_207, %parallel_loop3A_208] {strides = array<i32>} : memref<128x64xf32, #tpu.memory_space<vmem>>, vector<1x16xf32>,
        %parallel_loop3A_210 = vector.shape_cast %parallel_loop3A_209 : vector<1x16xf32> to vector<16xf32>
        %parallel_loop3A_211 = arith.addf %parallel_loop3A_206, %parallel_loop3A_210 : vector<16xf32>
        %parallel_loop3A_212 = arith.addf %parallel_loop3A_211, %parallel_loop3A_156 : vector<16xf32>
        %parallel_loop3A_213 = arith.index_cast %parallel_loop3A_153 : i32 to index
        %parallel_loop3A_214 = arith.constant 32 : index
        %parallel_loop3A_215 = tpu.vector_load %arg17[%parallel_loop3A_213, %parallel_loop3A_214] {strides = array<i32>} : memref<128x64xf32, #tpu.memory_space<vmem>>, vector<1x16xf32>,
        %parallel_loop3A_216 = vector.shape_cast %parallel_loop3A_215 : vector<1x16xf32> to vector<16xf32>
        %parallel_loop3A_217 = vector.shape_cast %parallel_loop3A_212 : vector<16xf32> to vector<1x16xf32>
        tpu.vector_store %arg17[%parallel_loop3A_213, %parallel_loop3A_214], %parallel_loop3A_217 {strides = array<i32>} : memref<128x64xf32, #tpu.memory_space<vmem>>, vector<1x16xf32>,
        %parallel_loop3A_218 = arith.index_cast %parallel_loop3A_153 : i32 to index
        %parallel_loop3A_219 = arith.constant 48 : index
        %parallel_loop3A_220 = tpu.vector_load %arg14[%parallel_loop3A_218, %parallel_loop3A_219] {strides = array<i32>} : memref<128x64xf32, #tpu.memory_space<vmem>>, vector<1x16xf32>,
        %parallel_loop3A_221 = vector.shape_cast %parallel_loop3A_220 : vector<1x16xf32> to vector<16xf32>
        %parallel_loop3A_222 = arith.index_cast %parallel_loop3A_153 : i32 to index
        %parallel_loop3A_223 = arith.constant 48 : index
        %parallel_loop3A_224 = tpu.vector_load %arg15[%parallel_loop3A_222, %parallel_loop3A_223] {strides = array<i32>} : memref<128x64xf32, #tpu.memory_space<vmem>>, vector<1x16xf32>,
        %parallel_loop3A_225 = vector.shape_cast %parallel_loop3A_224 : vector<1x16xf32> to vector<16xf32>
        %parallel_loop3A_226 = arith.addf %parallel_loop3A_221, %parallel_loop3A_225 : vector<16xf32>
        %parallel_loop3A_227 = arith.index_cast %parallel_loop3A_153 : i32 to index
        %parallel_loop3A_228 = arith.constant 48 : index
        %parallel_loop3A_229 = tpu.vector_load %arg16[%parallel_loop3A_227, %parallel_loop3A_228] {strides = array<i32>} : memref<128x64xf32, #tpu.memory_space<vmem>>, vector<1x16xf32>,
        %parallel_loop3A_230 = vector.shape_cast %parallel_loop3A_229 : vector<1x16xf32> to vector<16xf32>
        %parallel_loop3A_231 = arith.addf %parallel_loop3A_226, %parallel_loop3A_230 : vector<16xf32>
        %parallel_loop3A_232 = arith.addf %parallel_loop3A_231, %parallel_loop3A_157 : vector<16xf32>
        %parallel_loop3A_233 = arith.index_cast %parallel_loop3A_153 : i32 to index
        %parallel_loop3A_234 = arith.constant 48 : index
        %parallel_loop3A_235 = tpu.vector_load %arg17[%parallel_loop3A_233, %parallel_loop3A_234] {strides = array<i32>} : memref<128x64xf32, #tpu.memory_space<vmem>>, vector<1x16xf32>,
        %parallel_loop3A_236 = vector.shape_cast %parallel_loop3A_235 : vector<1x16xf32> to vector<16xf32>
        %parallel_loop3A_237 = vector.shape_cast %parallel_loop3A_232 : vector<16xf32> to vector<1x16xf32>
        tpu.vector_store %arg17[%parallel_loop3A_233, %parallel_loop3A_234], %parallel_loop3A_237 {strides = array<i32>} : memref<128x64xf32, #tpu.memory_space<vmem>>, vector<1x16xf32>,
        scf.yield %parallel_loop3A_154, %parallel_loop3A_155, %parallel_loop3A_156, %parallel_loop3A_157 : vector<16xf32>, vector<16xf32>, vector<16xf32>, vector<16xf32>
      } {sc.loop_unroll_factor = 8 : i64, sc.parallel_access}
      %lt3A = arith.constant 24 : i32
      %lt3A_87 = arith.cmpi slt, %scan3A_48, %lt3A : i32
      %convert_element_type3A_88 = arith.extui %lt3A_87 : i1 to i32
      %cond3A_89 = arith.constant 0 : i32
      %cond3A_90 = arith.cmpi ne, %convert_element_type3A_88, %cond3A_89 : i32
      scf.if %cond3A_90 {
        %add3A_153 = arith.constant 2 : i32
        %add3A_154 = arith.addi %add3A_52, %add3A_153 : i32
        %mul3A_155 = arith.constant 128 : i32
        %mul3A_156 = arith.muli %add3A_154, %mul3A_155 : i32
        %dma_start3A_157 = tpu.memref_slice %arg10[%mul3A_156] : memref<6400xi32, #tpu.memory_space<vmem>> -> memref<128xi32, #tpu.memory_space<vmem>>
        %dma_start3A_158 = arith.constant 0 : i32
        %dma_start3A_159 = arith.constant 0 : i32
        %dma_start3A_160 = tpu.memref_slice %arg5[%dma_start3A_158, %dma_start3A_159] : memref<1000000x64xf32, #tpu.memory_space<hbm>> -> memref<1000000x64xf32, #tpu.memory_space<hbm>>
        tpu.enqueue_indirect_dma source(%dma_start3A_160 : memref<1000000x64xf32, #tpu.memory_space<hbm>>) target(%arg14 : memref<128x64xf32, #tpu.memory_space<vmem>>) offsets(%dma_start3A_157 : memref<128xi32, #tpu.memory_space<vmem>>) semaphore(%arg22 : memref<!tpu.dma_semaphore, #tpu.memory_space<semaphore_mem>>)
        %dma_start3A_161 = tpu.memref_slice %arg11[%mul3A_156] : memref<6400xi32, #tpu.memory_space<vmem>> -> memref<128xi32, #tpu.memory_space<vmem>>
        %dma_start3A_162 = arith.constant 0 : i32
        %dma_start3A_163 = arith.constant 0 : i32
        %dma_start3A_164 = tpu.memref_slice %arg6[%dma_start3A_162, %dma_start3A_163] : memref<512x64xf32, #tpu.memory_space<hbm>> -> memref<512x64xf32, #tpu.memory_space<hbm>>
        tpu.enqueue_indirect_dma source(%dma_start3A_164 : memref<512x64xf32, #tpu.memory_space<hbm>>) target(%arg15 : memref<128x64xf32, #tpu.memory_space<vmem>>) offsets(%dma_start3A_161 : memref<128xi32, #tpu.memory_space<vmem>>) semaphore(%arg22 : memref<!tpu.dma_semaphore, #tpu.memory_space<semaphore_mem>>)
        %dma_start3A_165 = tpu.memref_slice %arg12[%mul3A_156] : memref<6400xi32, #tpu.memory_space<vmem>> -> memref<128xi32, #tpu.memory_space<vmem>>
        %dma_start3A_166 = arith.constant 0 : i32
        %dma_start3A_167 = arith.constant 0 : i32
        %dma_start3A_168 = tpu.memref_slice %arg7[%dma_start3A_166, %dma_start3A_167] : memref<64x64xf32, #tpu.memory_space<hbm>> -> memref<64x64xf32, #tpu.memory_space<hbm>>
        tpu.enqueue_indirect_dma source(%dma_start3A_168 : memref<64x64xf32, #tpu.memory_space<hbm>>) target(%arg16 : memref<128x64xf32, #tpu.memory_space<vmem>>) offsets(%dma_start3A_165 : memref<128xi32, #tpu.memory_space<vmem>>) semaphore(%arg22 : memref<!tpu.dma_semaphore, #tpu.memory_space<semaphore_mem>>)
      } else {
      }
      %mul3A_91 = arith.constant 128 : i32
      %mul3A_92 = arith.muli %add3A_52, %mul3A_91 : i32
      %add3A_93 = arith.addi %mul3A_2, %mul3A_92 : i32
      %dma_start3A_94 = arith.constant 0 : i32
      %dma_start3A_95 = tpu.memref_slice %arg9[%add3A_93, %dma_start3A_94] : memref<204800x64xf32, #tpu.memory_space<hbm>> -> memref<128x64xf32, #tpu.memory_space<hbm>>
      %dma_start3A_96 = arith.constant 0 : i32
      %dma_start3A_97 = tpu.memref_slice %arg9[%add3A_93, %dma_start3A_96] : memref<204800x64xf32, #tpu.memory_space<hbm>> -> memref<128x64xf32, #tpu.memory_space<hbm>>
      tpu.enqueue_dma source(%arg17 : memref<128x64xf32, #tpu.memory_space<vmem>>) target(%dma_start3A_97 : memref<128x64xf32, #tpu.memory_space<hbm>>) target_semaphore(%arg24 : memref<!tpu.dma_semaphore, #tpu.memory_space<semaphore_mem>>)
      %mul3A_98 = arith.constant 2 : i32
      %mul3A_99 = arith.muli %mul3A_98, %scan3A_48 : i32
      %add3A_100 = arith.constant 1 : i32
      %add3A_101 = arith.addi %mul3A_99, %add3A_100 : i32
      %dma_wait3A_102 = arith.constant 0 : i32
      %dma_wait3A_103 = arith.constant 0 : i32
      %dma_wait3A_104 = tpu.memref_slice %arg9[%dma_wait3A_102, %dma_wait3A_103] : memref<204800x64xf32, #tpu.memory_space<hbm>> -> memref<128x64xf32, #tpu.memory_space<hbm>>
      %dma_wait3A_105 = arith.constant 0 : i32
      %dma_wait3A_106 = arith.constant 0 : i32
      %dma_wait3A_107 = tpu.memref_slice %arg9[%dma_wait3A_105, %dma_wait3A_106] : memref<204800x64xf32, #tpu.memory_space<hbm>> -> memref<128x64xf32, #tpu.memory_space<hbm>>
      tpu.wait_dma2 semaphore(%arg23 : memref<!tpu.dma_semaphore, #tpu.memory_space<semaphore_mem>>) src(%dma_wait3A_107 : memref<128x64xf32, #tpu.memory_space<hbm>>) dst(%arg18 : memref<128x64xf32, #tpu.memory_space<vmem>>)
      %dma_wait3A_108 = arith.constant 0 : i32
      %dma_wait3A_109 = arith.constant 0 : i32
      %dma_wait3A_110 = tpu.memref_slice %arg9[%dma_wait3A_108, %dma_wait3A_109] : memref<204800x64xf32, #tpu.memory_space<hbm>> -> memref<128x64xf32, #tpu.memory_space<hbm>>
      %dma_wait3A_111 = arith.constant 0 : i32
      %dma_wait3A_112 = arith.constant 0 : i32
      %dma_wait3A_113 = tpu.memref_slice %arg9[%dma_wait3A_111, %dma_wait3A_112] : memref<204800x64xf32, #tpu.memory_space<hbm>> -> memref<128x64xf32, #tpu.memory_space<hbm>>
      tpu.wait_dma2 semaphore(%arg23 : memref<!tpu.dma_semaphore, #tpu.memory_space<semaphore_mem>>) src(%dma_wait3A_113 : memref<128x64xf32, #tpu.memory_space<hbm>>) dst(%arg19 : memref<128x64xf32, #tpu.memory_space<vmem>>)
      %dma_wait3A_114 = arith.constant 0 : i32
      %dma_wait3A_115 = arith.constant 0 : i32
      %dma_wait3A_116 = tpu.memref_slice %arg9[%dma_wait3A_114, %dma_wait3A_115] : memref<204800x64xf32, #tpu.memory_space<hbm>> -> memref<128x64xf32, #tpu.memory_space<hbm>>
      %dma_wait3A_117 = arith.constant 0 : i32
      %dma_wait3A_118 = arith.constant 0 : i32
      %dma_wait3A_119 = tpu.memref_slice %arg9[%dma_wait3A_117, %dma_wait3A_118] : memref<204800x64xf32, #tpu.memory_space<hbm>> -> memref<128x64xf32, #tpu.memory_space<hbm>>
      tpu.wait_dma2 semaphore(%arg23 : memref<!tpu.dma_semaphore, #tpu.memory_space<semaphore_mem>>) src(%dma_wait3A_119 : memref<128x64xf32, #tpu.memory_space<hbm>>) dst(%arg20 : memref<128x64xf32, #tpu.memory_space<vmem>>)
      %gt3A_120 = arith.constant 0 : i32
      %gt3A_121 = arith.cmpi sgt, %scan3A_48, %gt3A_120 : i32
      %convert_element_type3A_122 = arith.extui %gt3A_121 : i1 to i32
      %cond3A_123 = arith.constant 0 : i32
      %cond3A_124 = arith.cmpi ne, %convert_element_type3A_122, %cond3A_123 : i32
      scf.if %cond3A_124 {
        %dma_wait3A_153 = arith.constant 0 : i32
        %dma_wait3A_154 = arith.constant 0 : i32
        %dma_wait3A_155 = tpu.memref_slice %arg9[%dma_wait3A_153, %dma_wait3A_154] : memref<204800x64xf32, #tpu.memory_space<hbm>> -> memref<128x64xf32, #tpu.memory_space<hbm>>
        %dma_wait3A_156 = arith.constant 0 : i32
        %dma_wait3A_157 = arith.constant 0 : i32
        %dma_wait3A_158 = tpu.memref_slice %arg9[%dma_wait3A_156, %dma_wait3A_157] : memref<204800x64xf32, #tpu.memory_space<hbm>> -> memref<128x64xf32, #tpu.memory_space<hbm>>
        tpu.wait_dma2 semaphore(%arg25 : memref<!tpu.dma_semaphore, #tpu.memory_space<semaphore_mem>>) src(%arg21 : memref<128x64xf32, #tpu.memory_space<vmem>>) dst(%dma_wait3A_158 : memref<128x64xf32, #tpu.memory_space<hbm>>)
      } else {
      }
      %get3A_125 = arith.constant 0 : index
      %get3A_126 = tpu.vector_load %arg13[%get3A_125] {strides = array<i32>} : memref<64xf32, #tpu.memory_space<vmem>>, vector<16xf32>,
      %get3A_127 = vector.shape_cast %get3A_126 : vector<16xf32> to vector<16xf32>
      %get3A_128 = arith.constant 16 : index
      %get3A_129 = tpu.vector_load %arg13[%get3A_128] {strides = array<i32>} : memref<64xf32, #tpu.memory_space<vmem>>, vector<16xf32>,
      %get3A_130 = vector.shape_cast %get3A_129 : vector<16xf32> to vector<16xf32>
      %get3A_131 = arith.constant 32 : index
      %get3A_132 = tpu.vector_load %arg13[%get3A_131] {strides = array<i32>} : memref<64xf32, #tpu.memory_space<vmem>>, vector<16xf32>,
      %get3A_133 = vector.shape_cast %get3A_132 : vector<16xf32> to vector<16xf32>
      %get3A_134 = arith.constant 48 : index
      %get3A_135 = tpu.vector_load %arg13[%get3A_134] {strides = array<i32>} : memref<64xf32, #tpu.memory_space<vmem>>, vector<16xf32>,
      %get3A_136 = vector.shape_cast %get3A_135 : vector<16xf32> to vector<16xf32>
      %parallel_loop3A_137 = arith.constant 0 : i32
      %parallel_loop3A_138 = arith.constant 128 : i32
      %parallel_loop3A_139 = arith.constant 1 : i32
      %parallel_loop3A_140:4 = scf.for %parallel_loop3A_153 = %parallel_loop3A_137 to %parallel_loop3A_138 step %parallel_loop3A_139 iter_args(%parallel_loop3A_154 = %get3A_127, %parallel_loop3A_155 = %get3A_130, %parallel_loop3A_156 = %get3A_133, %parallel_loop3A_157 = %get3A_136) -> (vector<16xf32>, vector<16xf32>, vector<16xf32>, vector<16xf32>)  : i32 {
        %parallel_loop3A_158 = arith.index_cast %parallel_loop3A_153 : i32 to index
        %parallel_loop3A_159 = arith.constant 0 : index
        %parallel_loop3A_160 = tpu.vector_load %arg18[%parallel_loop3A_158, %parallel_loop3A_159] {strides = array<i32>} : memref<128x64xf32, #tpu.memory_space<vmem>>, vector<1x16xf32>,
        %parallel_loop3A_161 = vector.shape_cast %parallel_loop3A_160 : vector<1x16xf32> to vector<16xf32>
        %parallel_loop3A_162 = arith.index_cast %parallel_loop3A_153 : i32 to index
        %parallel_loop3A_163 = arith.constant 0 : index
        %parallel_loop3A_164 = tpu.vector_load %arg19[%parallel_loop3A_162, %parallel_loop3A_163] {strides = array<i32>} : memref<128x64xf32, #tpu.memory_space<vmem>>, vector<1x16xf32>,
        %parallel_loop3A_165 = vector.shape_cast %parallel_loop3A_164 : vector<1x16xf32> to vector<16xf32>
        %parallel_loop3A_166 = arith.addf %parallel_loop3A_161, %parallel_loop3A_165 : vector<16xf32>
        %parallel_loop3A_167 = arith.index_cast %parallel_loop3A_153 : i32 to index
        %parallel_loop3A_168 = arith.constant 0 : index
        %parallel_loop3A_169 = tpu.vector_load %arg20[%parallel_loop3A_167, %parallel_loop3A_168] {strides = array<i32>} : memref<128x64xf32, #tpu.memory_space<vmem>>, vector<1x16xf32>,
        %parallel_loop3A_170 = vector.shape_cast %parallel_loop3A_169 : vector<1x16xf32> to vector<16xf32>
        %parallel_loop3A_171 = arith.addf %parallel_loop3A_166, %parallel_loop3A_170 : vector<16xf32>
        %parallel_loop3A_172 = arith.addf %parallel_loop3A_171, %parallel_loop3A_154 : vector<16xf32>
        %parallel_loop3A_173 = arith.index_cast %parallel_loop3A_153 : i32 to index
        %parallel_loop3A_174 = arith.constant 0 : index
        %parallel_loop3A_175 = tpu.vector_load %arg21[%parallel_loop3A_173, %parallel_loop3A_174] {strides = array<i32>} : memref<128x64xf32, #tpu.memory_space<vmem>>, vector<1x16xf32>,
        %parallel_loop3A_176 = vector.shape_cast %parallel_loop3A_175 : vector<1x16xf32> to vector<16xf32>
        %parallel_loop3A_177 = vector.shape_cast %parallel_loop3A_172 : vector<16xf32> to vector<1x16xf32>
        tpu.vector_store %arg21[%parallel_loop3A_173, %parallel_loop3A_174], %parallel_loop3A_177 {strides = array<i32>} : memref<128x64xf32, #tpu.memory_space<vmem>>, vector<1x16xf32>,
        %parallel_loop3A_178 = arith.index_cast %parallel_loop3A_153 : i32 to index
        %parallel_loop3A_179 = arith.constant 16 : index
        %parallel_loop3A_180 = tpu.vector_load %arg18[%parallel_loop3A_178, %parallel_loop3A_179] {strides = array<i32>} : memref<128x64xf32, #tpu.memory_space<vmem>>, vector<1x16xf32>,
        %parallel_loop3A_181 = vector.shape_cast %parallel_loop3A_180 : vector<1x16xf32> to vector<16xf32>
        %parallel_loop3A_182 = arith.index_cast %parallel_loop3A_153 : i32 to index
        %parallel_loop3A_183 = arith.constant 16 : index
        %parallel_loop3A_184 = tpu.vector_load %arg19[%parallel_loop3A_182, %parallel_loop3A_183] {strides = array<i32>} : memref<128x64xf32, #tpu.memory_space<vmem>>, vector<1x16xf32>,
        %parallel_loop3A_185 = vector.shape_cast %parallel_loop3A_184 : vector<1x16xf32> to vector<16xf32>
        %parallel_loop3A_186 = arith.addf %parallel_loop3A_181, %parallel_loop3A_185 : vector<16xf32>
        %parallel_loop3A_187 = arith.index_cast %parallel_loop3A_153 : i32 to index
        %parallel_loop3A_188 = arith.constant 16 : index
        %parallel_loop3A_189 = tpu.vector_load %arg20[%parallel_loop3A_187, %parallel_loop3A_188] {strides = array<i32>} : memref<128x64xf32, #tpu.memory_space<vmem>>, vector<1x16xf32>,
        %parallel_loop3A_190 = vector.shape_cast %parallel_loop3A_189 : vector<1x16xf32> to vector<16xf32>
        %parallel_loop3A_191 = arith.addf %parallel_loop3A_186, %parallel_loop3A_190 : vector<16xf32>
        %parallel_loop3A_192 = arith.addf %parallel_loop3A_191, %parallel_loop3A_155 : vector<16xf32>
        %parallel_loop3A_193 = arith.index_cast %parallel_loop3A_153 : i32 to index
        %parallel_loop3A_194 = arith.constant 16 : index
        %parallel_loop3A_195 = tpu.vector_load %arg21[%parallel_loop3A_193, %parallel_loop3A_194] {strides = array<i32>} : memref<128x64xf32, #tpu.memory_space<vmem>>, vector<1x16xf32>,
        %parallel_loop3A_196 = vector.shape_cast %parallel_loop3A_195 : vector<1x16xf32> to vector<16xf32>
        %parallel_loop3A_197 = vector.shape_cast %parallel_loop3A_192 : vector<16xf32> to vector<1x16xf32>
        tpu.vector_store %arg21[%parallel_loop3A_193, %parallel_loop3A_194], %parallel_loop3A_197 {strides = array<i32>} : memref<128x64xf32, #tpu.memory_space<vmem>>, vector<1x16xf32>,
        %parallel_loop3A_198 = arith.index_cast %parallel_loop3A_153 : i32 to index
        %parallel_loop3A_199 = arith.constant 32 : index
        %parallel_loop3A_200 = tpu.vector_load %arg18[%parallel_loop3A_198, %parallel_loop3A_199] {strides = array<i32>} : memref<128x64xf32, #tpu.memory_space<vmem>>, vector<1x16xf32>,
        %parallel_loop3A_201 = vector.shape_cast %parallel_loop3A_200 : vector<1x16xf32> to vector<16xf32>
        %parallel_loop3A_202 = arith.index_cast %parallel_loop3A_153 : i32 to index
        %parallel_loop3A_203 = arith.constant 32 : index
        %parallel_loop3A_204 = tpu.vector_load %arg19[%parallel_loop3A_202, %parallel_loop3A_203] {strides = array<i32>} : memref<128x64xf32, #tpu.memory_space<vmem>>, vector<1x16xf32>,
        %parallel_loop3A_205 = vector.shape_cast %parallel_loop3A_204 : vector<1x16xf32> to vector<16xf32>
        %parallel_loop3A_206 = arith.addf %parallel_loop3A_201, %parallel_loop3A_205 : vector<16xf32>
        %parallel_loop3A_207 = arith.index_cast %parallel_loop3A_153 : i32 to index
        %parallel_loop3A_208 = arith.constant 32 : index
        %parallel_loop3A_209 = tpu.vector_load %arg20[%parallel_loop3A_207, %parallel_loop3A_208] {strides = array<i32>} : memref<128x64xf32, #tpu.memory_space<vmem>>, vector<1x16xf32>,
        %parallel_loop3A_210 = vector.shape_cast %parallel_loop3A_209 : vector<1x16xf32> to vector<16xf32>
        %parallel_loop3A_211 = arith.addf %parallel_loop3A_206, %parallel_loop3A_210 : vector<16xf32>
        %parallel_loop3A_212 = arith.addf %parallel_loop3A_211, %parallel_loop3A_156 : vector<16xf32>
        %parallel_loop3A_213 = arith.index_cast %parallel_loop3A_153 : i32 to index
        %parallel_loop3A_214 = arith.constant 32 : index
        %parallel_loop3A_215 = tpu.vector_load %arg21[%parallel_loop3A_213, %parallel_loop3A_214] {strides = array<i32>} : memref<128x64xf32, #tpu.memory_space<vmem>>, vector<1x16xf32>,
        %parallel_loop3A_216 = vector.shape_cast %parallel_loop3A_215 : vector<1x16xf32> to vector<16xf32>
        %parallel_loop3A_217 = vector.shape_cast %parallel_loop3A_212 : vector<16xf32> to vector<1x16xf32>
        tpu.vector_store %arg21[%parallel_loop3A_213, %parallel_loop3A_214], %parallel_loop3A_217 {strides = array<i32>} : memref<128x64xf32, #tpu.memory_space<vmem>>, vector<1x16xf32>,
        %parallel_loop3A_218 = arith.index_cast %parallel_loop3A_153 : i32 to index
        %parallel_loop3A_219 = arith.constant 48 : index
        %parallel_loop3A_220 = tpu.vector_load %arg18[%parallel_loop3A_218, %parallel_loop3A_219] {strides = array<i32>} : memref<128x64xf32, #tpu.memory_space<vmem>>, vector<1x16xf32>,
        %parallel_loop3A_221 = vector.shape_cast %parallel_loop3A_220 : vector<1x16xf32> to vector<16xf32>
        %parallel_loop3A_222 = arith.index_cast %parallel_loop3A_153 : i32 to index
        %parallel_loop3A_223 = arith.constant 48 : index
        %parallel_loop3A_224 = tpu.vector_load %arg19[%parallel_loop3A_222, %parallel_loop3A_223] {strides = array<i32>} : memref<128x64xf32, #tpu.memory_space<vmem>>, vector<1x16xf32>,
        %parallel_loop3A_225 = vector.shape_cast %parallel_loop3A_224 : vector<1x16xf32> to vector<16xf32>
        %parallel_loop3A_226 = arith.addf %parallel_loop3A_221, %parallel_loop3A_225 : vector<16xf32>
        %parallel_loop3A_227 = arith.index_cast %parallel_loop3A_153 : i32 to index
        %parallel_loop3A_228 = arith.constant 48 : index
        %parallel_loop3A_229 = tpu.vector_load %arg20[%parallel_loop3A_227, %parallel_loop3A_228] {strides = array<i32>} : memref<128x64xf32, #tpu.memory_space<vmem>>, vector<1x16xf32>,
        %parallel_loop3A_230 = vector.shape_cast %parallel_loop3A_229 : vector<1x16xf32> to vector<16xf32>
        %parallel_loop3A_231 = arith.addf %parallel_loop3A_226, %parallel_loop3A_230 : vector<16xf32>
        %parallel_loop3A_232 = arith.addf %parallel_loop3A_231, %parallel_loop3A_157 : vector<16xf32>
        %parallel_loop3A_233 = arith.index_cast %parallel_loop3A_153 : i32 to index
        %parallel_loop3A_234 = arith.constant 48 : index
        %parallel_loop3A_235 = tpu.vector_load %arg21[%parallel_loop3A_233, %parallel_loop3A_234] {strides = array<i32>} : memref<128x64xf32, #tpu.memory_space<vmem>>, vector<1x16xf32>,
        %parallel_loop3A_236 = vector.shape_cast %parallel_loop3A_235 : vector<1x16xf32> to vector<16xf32>
        %parallel_loop3A_237 = vector.shape_cast %parallel_loop3A_232 : vector<16xf32> to vector<1x16xf32>
        tpu.vector_store %arg21[%parallel_loop3A_233, %parallel_loop3A_234], %parallel_loop3A_237 {strides = array<i32>} : memref<128x64xf32, #tpu.memory_space<vmem>>, vector<1x16xf32>,
        scf.yield %parallel_loop3A_154, %parallel_loop3A_155, %parallel_loop3A_156, %parallel_loop3A_157 : vector<16xf32>, vector<16xf32>, vector<16xf32>, vector<16xf32>
      } {sc.loop_unroll_factor = 8 : i64, sc.parallel_access}
      %lt3A_141 = arith.constant 24 : i32
      %lt3A_142 = arith.cmpi slt, %scan3A_48, %lt3A_141 : i32
      %convert_element_type3A_143 = arith.extui %lt3A_142 : i1 to i32
      %cond3A_144 = arith.constant 0 : i32
      %cond3A_145 = arith.cmpi ne, %convert_element_type3A_143, %cond3A_144 : i32
      scf.if %cond3A_145 {
        %add3A_153 = arith.constant 2 : i32
        %add3A_154 = arith.addi %add3A_101, %add3A_153 : i32
        %mul3A_155 = arith.constant 128 : i32
        %mul3A_156 = arith.muli %add3A_154, %mul3A_155 : i32
        %dma_start3A_157 = tpu.memref_slice %arg10[%mul3A_156] : memref<6400xi32, #tpu.memory_space<vmem>> -> memref<128xi32, #tpu.memory_space<vmem>>
        %dma_start3A_158 = arith.constant 0 : i32
        %dma_start3A_159 = arith.constant 0 : i32
        %dma_start3A_160 = tpu.memref_slice %arg5[%dma_start3A_158, %dma_start3A_159] : memref<1000000x64xf32, #tpu.memory_space<hbm>> -> memref<1000000x64xf32, #tpu.memory_space<hbm>>
        tpu.enqueue_indirect_dma source(%dma_start3A_160 : memref<1000000x64xf32, #tpu.memory_space<hbm>>) target(%arg18 : memref<128x64xf32, #tpu.memory_space<vmem>>) offsets(%dma_start3A_157 : memref<128xi32, #tpu.memory_space<vmem>>) semaphore(%arg23 : memref<!tpu.dma_semaphore, #tpu.memory_space<semaphore_mem>>)
        %dma_start3A_161 = tpu.memref_slice %arg11[%mul3A_156] : memref<6400xi32, #tpu.memory_space<vmem>> -> memref<128xi32, #tpu.memory_space<vmem>>
        %dma_start3A_162 = arith.constant 0 : i32
        %dma_start3A_163 = arith.constant 0 : i32
        %dma_start3A_164 = tpu.memref_slice %arg6[%dma_start3A_162, %dma_start3A_163] : memref<512x64xf32, #tpu.memory_space<hbm>> -> memref<512x64xf32, #tpu.memory_space<hbm>>
        tpu.enqueue_indirect_dma source(%dma_start3A_164 : memref<512x64xf32, #tpu.memory_space<hbm>>) target(%arg19 : memref<128x64xf32, #tpu.memory_space<vmem>>) offsets(%dma_start3A_161 : memref<128xi32, #tpu.memory_space<vmem>>) semaphore(%arg23 : memref<!tpu.dma_semaphore, #tpu.memory_space<semaphore_mem>>)
        %dma_start3A_165 = tpu.memref_slice %arg12[%mul3A_156] : memref<6400xi32, #tpu.memory_space<vmem>> -> memref<128xi32, #tpu.memory_space<vmem>>
        %dma_start3A_166 = arith.constant 0 : i32
        %dma_start3A_167 = arith.constant 0 : i32
        %dma_start3A_168 = tpu.memref_slice %arg7[%dma_start3A_166, %dma_start3A_167] : memref<64x64xf32, #tpu.memory_space<hbm>> -> memref<64x64xf32, #tpu.memory_space<hbm>>
        tpu.enqueue_indirect_dma source(%dma_start3A_168 : memref<64x64xf32, #tpu.memory_space<hbm>>) target(%arg20 : memref<128x64xf32, #tpu.memory_space<vmem>>) offsets(%dma_start3A_165 : memref<128xi32, #tpu.memory_space<vmem>>) semaphore(%arg23 : memref<!tpu.dma_semaphore, #tpu.memory_space<semaphore_mem>>)
      } else {
      }
      %mul3A_146 = arith.constant 128 : i32
      %mul3A_147 = arith.muli %add3A_101, %mul3A_146 : i32
      %add3A_148 = arith.addi %mul3A_2, %mul3A_147 : i32
      %dma_start3A_149 = arith.constant 0 : i32
      %dma_start3A_150 = tpu.memref_slice %arg9[%add3A_148, %dma_start3A_149] : memref<204800x64xf32, #tpu.memory_space<hbm>> -> memref<128x64xf32, #tpu.memory_space<hbm>>
      %dma_start3A_151 = arith.constant 0 : i32
      %dma_start3A_152 = tpu.memref_slice %arg9[%add3A_148, %dma_start3A_151] : memref<204800x64xf32, #tpu.memory_space<hbm>> -> memref<128x64xf32, #tpu.memory_space<hbm>>
      tpu.enqueue_dma source(%arg21 : memref<128x64xf32, #tpu.memory_space<vmem>>) target(%dma_start3A_152 : memref<128x64xf32, #tpu.memory_space<hbm>>) target_semaphore(%arg25 : memref<!tpu.dma_semaphore, #tpu.memory_space<semaphore_mem>>)
    }
    %scan3A_36 = arith.constant 25 : i32
    %dma_wait3A = arith.constant 0 : i32
    %dma_wait3A_37 = arith.constant 0 : i32
    %dma_wait3A_38 = tpu.memref_slice %arg9[%dma_wait3A, %dma_wait3A_37] : memref<204800x64xf32, #tpu.memory_space<hbm>> -> memref<128x64xf32, #tpu.memory_space<hbm>>
    %dma_wait3A_39 = arith.constant 0 : i32
    %dma_wait3A_40 = arith.constant 0 : i32
    %dma_wait3A_41 = tpu.memref_slice %arg9[%dma_wait3A_39, %dma_wait3A_40] : memref<204800x64xf32, #tpu.memory_space<hbm>> -> memref<128x64xf32, #tpu.memory_space<hbm>>
    tpu.wait_dma2 semaphore(%arg24 : memref<!tpu.dma_semaphore, #tpu.memory_space<semaphore_mem>>) src(%arg17 : memref<128x64xf32, #tpu.memory_space<vmem>>) dst(%dma_wait3A_41 : memref<128x64xf32, #tpu.memory_space<hbm>>)
    %dma_wait3A_42 = arith.constant 0 : i32
    %dma_wait3A_43 = arith.constant 0 : i32
    %dma_wait3A_44 = tpu.memref_slice %arg9[%dma_wait3A_42, %dma_wait3A_43] : memref<204800x64xf32, #tpu.memory_space<hbm>> -> memref<128x64xf32, #tpu.memory_space<hbm>>
    %dma_wait3A_45 = arith.constant 0 : i32
    %dma_wait3A_46 = arith.constant 0 : i32
    %dma_wait3A_47 = tpu.memref_slice %arg9[%dma_wait3A_45, %dma_wait3A_46] : memref<204800x64xf32, #tpu.memory_space<hbm>> -> memref<128x64xf32, #tpu.memory_space<hbm>>
    tpu.wait_dma2 semaphore(%arg25 : memref<!tpu.dma_semaphore, #tpu.memory_space<semaphore_mem>>) src(%arg21 : memref<128x64xf32, #tpu.memory_space<vmem>>) dst(%dma_wait3A_47 : memref<128x64xf32, #tpu.memory_space<hbm>>)
    return
  }
}

</mosaic_0001>

<sc_bundles>
// kernel: kernel.3.cloned.1.call-start
scs
__scs_entry_jumppad:
0x0: {  	(pc) =	sbr.rel $0x88, $3  }
0x1: {  	(tag) =	ssettag $0x0;
	lr =	simm.s32 $0x1  }
0x2: {  	[smem:$0x3F9A] =	sst lr;
	_ =	strace $0xD0000000  }
0x3: {  	_ = 	snop  }
0x4: {  	_ = 	snop  }
0x5: {  	_ = 	snop  }
0x6: {  	_ = 	snop  }
0x7: {  	_ = 	snop  }
__scs_overlays_trampoline_lowered:
0x8: {  	[smem:$0x3FA9] =	sst s0  }
0x9: {  	[smem:$0x3FAA] =	sst s1  }
0xa: {  	[smem:$0x3FAB] =	sst s2  }
0xb: {  	[smem:$0x3FAC] =	sst s3  }
0xc: {  	[smem:$0x3FAD] =	sst s4  }
0xd: {  	[smem:$0x3FAE] =	sst s5  }
0xe: {  	[smem:$0x3FAF] =	sst s6  }
0xf: {  	[smem:$0x3FB0] =	sst s7  }
0x10: {  	[smem:$0x3FB1] =	sst s8  }
0x11: {  	[smem:$0x3FB2] =	sst s9;
	s0 =	simm.s32 @!p0 $0x0  }
0x12: {  	s1 =	sld [smem:$0x3F98];
	s0 =	simm.s32 @p0 $0x1  }
0x13: {  	[smem:$0x3FB3] =	sst s0;
	s0 =	simm.s32 @!p1 $0x0  }
0x14: {  	s2 =	sld [smem:$0x3F97];
	s0 =	simm.s32 @p1 $0x1  }
0x15: {  	[smem:$0x3FB4] =	sst s0;
	s0 =	simm.s32 @!p2 $0x0  }
0x16: {  	s3 =	sld [smem:$0x3FDB];
	s0 =	simm.s32 @p2 $0x1  }
0x17: {  	s4 =	simm.s32 $0x1BF5;
	[smem:$0x3FB6] =	sst s0  }
0x18: {  	s0 =	sld [smem:$0x3F99];
	_ =	swait.ge [sflag:s4], $0x0  }
0x19: {  	s7 =	sld [smem:$0x3F9A]  }
0x1a: {  	s8 =	sadd.s32 $0xFFFFE003, lr  }
0x1b: {  	s9 =	sadd.s32 $0xFFFFFEF7, lr;
	s5 =	simm.s32 $0xFFFFFFFF;
	p2 =	slt.u32 s8, $0xFFFFF086  }
0x1c: {  	p1 =	slt.u32 s9, $0xF7A;
	s5 =	simm.s32 @!p2 $0x0  }
0x1d: {  	s5 =	simm.s32 @p1 $0x1;
	p0 =	seq.s32 s7, s2  }
0x1e: {  	s7 =	smul.u32 @!p0 $0xF7A, s2;
	p2 =	seq.s32 @!p0 s5, $0x0  }
0x1f: {  	s9 =	smul.u32 $0xF7A, s1;
	s8 =	simm.s32 @!p0 $0x1BF5;
	p2 =	por !p2, p0  }
0x20: {  	[sflag:s8] =	ssyncset.s32 @!p0 $0xFFFFF086;
	s6 =	sadd.s32 @!p0 s3, s7;
	s7 =	simm.s32 @!p0 $0x108  }
0x21: {  	s3 =	sadd.s32 s3, s9;
	s6 =	sadd.s32 @!p0 $0x88, s6;
	s7 =	simm.s32 @p2 $0x1082  }
0x22: {  	[simem:s7], [sflag:s8] =	dma.local @!p0 [hbm:s6], $0xF7A  }
0x23: {  	s9 =	sor.u32 $0xD0000000, s2;
	s6 =	simm.s32 $0x108;
	_ =	swait.ge @!p0 [sflag:s8], $0x0  }
0x24: {  	s3 =	sadd.s32 $0x88, s3;
	s6 =	simm.s32 @!p1 $0x1082;
	[sflag:s4] =	ssyncset.s32 $0xFFFFF086  }
0x25: {  	[simem:s6], [sflag:s4] =	dma.local [hbm:s3], $0xF7A  }
0x26: {  	[smem:$0x3F9A] =	sst s1;
	(tag) =	ssettag s2;
	_ =	strace s9  }
0x27: {  	s1 =	sld [smem:$0x3FAA]  }
0x28: {  	s2 =	sld [smem:$0x3FAB]  }
0x29: {  	s4 =	sld [smem:$0x3FAD]  }
0x2a: {  	p0 =	seq.s32 s5, $0x0;
	s5 =	sld [smem:$0x3FAE]  }
0x2b: {  	s6 =	sld [smem:$0x3FAF]  }
0x2c: {  	s7 =	sld [smem:$0x3FB0]  }
0x2d: {  	s3 =	simm.s32 $0x108;
	s8 =	sld [smem:$0x3FB1]  }
0x2e: {  	s3 =	simm.s32 @!p0 $0x1082;
	s9 =	sld [smem:$0x3FB2]  }
0x2f: {  	lr =	sadd.s32 s0, s3;
	s0 =	sld [smem:$0x3FA9]  }
0x30: {  	s3 =	sld [smem:$0x3FAC]  }
0x31: {  	[smem:$0x3FB5] =	sst s10  }
0x32: {  	s10 =	sld [smem:$0x3FB3];
	_ =	sdelay $0x3  }
0x33: {  	p0 =	seq.s32 s10, $0x1;
	s10 =	sld [smem:$0x3FB5];
	_ =	sdelay $0x3  }
0x34: {  	[smem:$0x3FB5] =	sst s10  }
0x35: {  	s10 =	sld [smem:$0x3FB4];
	_ =	sdelay $0x3  }
0x36: {  	p1 =	seq.s32 s10, $0x1;
	s10 =	sld [smem:$0x3FB5];
	_ =	sdelay $0x3  }
0x37: {  	[smem:$0x3FB5] =	sst s10  }
0x38: {  	s10 =	sld [smem:$0x3FB6]  }
0x39: {  	_ = 	snop;
	(pc) =	sbr.ind lr, $3  }
0x3a: {  	_ = 	snop  }
0x3b: {  	_ = 	snop  }
0x3c: {  	p2 =	seq.s32 s10, $0x1;
	s10 =	sld [smem:$0x3FB5]  }
0x3d: {  	_ =	shalt  }
0x3e: {  	_ =	shalt  }
0x3f: {  	_ =	shalt  }
0x40: {  	_ =	shalt  }
0x41: {  	_ =	shalt  }
0x42: {  	_ =	shalt  }
0x43: {  	_ =	shalt  }
0x44: {  	_ =	shalt  }
0x45: {  	_ =	shalt  }
0x46: {  	_ =	shalt  }
0x47: {  	_ =	shalt  }
0x48: {  	_ =	shalt  }
0x49: {  	_ =	shalt  }
0x4a: {  	_ =	shalt  }
0x4b: {  	_ =	shalt  }
0x4c: {  	_ =	shalt  }
0x4d: {  	_ =	shalt  }
0x4e: {  	_ =	shalt  }
0x4f: {  	_ =	shalt  }
0x50: {  	_ =	shalt  }
0x51: {  	_ =	shalt  }
0x52: {  	_ =	shalt  }
0x53: {  	_ =	shalt  }
0x54: {  	_ =	shalt  }
0x55: {  	_ =	shalt  }
0x56: {  	_ =	shalt  }
0x57: {  	_ =	shalt  }
0x58: {  	_ =	shalt  }
0x59: {  	_ =	shalt  }
0x5a: {  	_ =	shalt  }
0x5b: {  	_ =	shalt  }
0x5c: {  	_ =	shalt  }
0x5d: {  	_ =	shalt  }
0x5e: {  	_ =	shalt  }
0x5f: {  	_ =	shalt  }
0x60: {  	_ =	shalt  }
0x61: {  	_ =	shalt  }
0x62: {  	_ =	shalt  }
0x63: {  	_ =	shalt  }
0x64: {  	_ =	shalt  }
0x65: {  	_ =	shalt  }
0x66: {  	_ =	shalt  }
0x67: {  	_ =	shalt  }
0x68: {  	_ =	shalt  }
0x69: {  	_ =	shalt  }
0x6a: {  	_ =	shalt  }
0x6b: {  	_ =	shalt  }
0x6c: {  	_ =	shalt  }
0x6d: {  	_ =	shalt  }
0x6e: {  	_ =	shalt  }
0x6f: {  	_ =	shalt  }
0x70: {  	_ =	shalt  }
0x71: {  	_ =	shalt  }
0x72: {  	_ =	shalt  }
0x73: {  	_ =	shalt  }
0x74: {  	_ =	shalt  }
0x75: {  	_ =	shalt  }
0x76: {  	_ =	shalt  }
0x77: {  	_ =	shalt  }
0x78: {  	_ =	shalt  }
0x79: {  	_ =	shalt  }
0x7a: {  	_ =	shalt  }
0x7b: {  	_ =	shalt  }
0x7c: {  	_ =	shalt  }
0x7d: {  	_ =	shalt  }
0x7e: {  	_ =	shalt  }
0x7f: {  	_ =	shalt  }
0x80: {  	_ =	shalt  }
0x81: {  	_ =	shalt  }
0x82: {  	_ =	shalt  }
0x83: {  	_ =	shalt  }
0x84: {  	_ =	shalt  }
0x85: {  	_ =	shalt  }
0x86: {  	_ =	shalt  }
0x87: {  	_ =	shalt  }
.Lfunc_end0:
.L_simem_size_0:
called_computation.1_lowered:
.L_overlay_start_0:
0x88: {  	s2 =	sld [smem:$0x3FD9]  }
0x89: {  	s3 =	sld [smem:$0x3FFE];
	_ =	sdelay $0x1  }
0x8a: {  	s1 =	srdreg.scid  }
0x8b: {  	s0 =	sand.u32 $0x1, s1  }
0x8c: {  	s17 =	sshll.u32 s0, $0xA;
	s2 =	sadd.s32 s3, s2  }
0x8d: {  	s2 =	sadd.s32 s2, s17  }
0x8e: {  	[smem:$0x3FC1] =	sst s2  }
0x8f: {  	_ = 	snop  }
0x90: {  	s2 =	sld [smem:$0x3FC3]  }
0x91: {  	s18 =	sld [smem:$0x3FD0];
	(tm) =	ssettm $0x1  }
0x92: {  	s4 =	sld [smem:$0x3FFB];
	_ =	sdelay $0x3  }
0x93: {  	_ =	strace s4  }
0x94: {  	s4 =	sld [smem:$0x3FFC];
	_ =	sdelay $0x3  }
0x95: {  	_ =	strace s4  }
0x96: {  	s4 =	sld [smem:$0x3FFD];
	_ =	sdelay $0x3  }
0x97: {  	_ =	strace s4  }
0x98: {  	_ =	strace $0x8FFFFFFF  }
0x99: {  	s19 =	sld [smem:$0x3FDB];
	_ =	sdelay $0x1  }
0x9a: {  	s5 =	simm.s32 $_scs_section_size  }
0x9b: {  	s6 =	simm.s32 $_size__tile_overlayer_lowered;
	s7 =	simm.s32 $_tile_overlayer_lowered  }
0x9c: {  	s22 =	simm.s32 $0x1BFF;
	s21 =	sshll.u32 s7, $0x1;
	s4 =	sadd.s32 s5, s19  }
0x9d: {  	s8 =	simm.s32 $0x0;
	s20 =	sshll.u32 s6, $0x1;
	s6 =	sadd.s32 s21, s4  }
0x9e: {  	[timem:s8], [sflag:s22] =	dma.local [hbm:s6], s20  }
0x9f: {  	_ =	swait.ge [sflag:s22], s20  }
0xa0: {  	s5 =	ssub.s32 $0x0, s20;
	[sflag:s22] =	ssyncset.done $0x0  }
0xa1: {  	[sflag:s22] =	ssyncadd.s32 s5;
	_ =	sdelay $0x1  }
0xa2: {  	s23 =	simm.s32 $0x1B8B  }
0xa3: {  	_ =	swait.ge [sflag:s23], $0x1  }
0xa4: {  	[sflag:s23] =	ssyncset.done $0x0  }
0xa5: {  	s25 =	simm.s32 $0x1B8E;
	s24 =	sld [smem:$0x3FFE];
	[sflag:s23] =	ssyncadd.s32 $0xFFFFFFFF  }
0xa6: {  	s26 =	simm.s32 $execute0_lowered;
	[smem:$0x3FD2] =	sst s25  }
0xa7: {  	s6 =	sshll.u32 s26, $0x1;
	_ =	strace $0x80000046;
	[dreg:$0x1] =	wrdreg $0xFFFFFFFF  }
0xa8: {  	s28 =	simm.s32 $_size_execute0_lowered;
	s4 =	sadd.s32 s4, s6;
	[dreg:$0x0] =	wrdreg $0x0  }
0xa9: {  	s6 =	sshll.u32 s28, $0x1;
	[dreg:$0x2] =	wrdreg s4  }
0xaa: {  	[dreg:$0x3] =	wrdreg s6  }
0xab: {  	[dreg:$0x4] =	wrdreg $0xC0  }
0xac: {  	_ =	task [dreg:s8], $0x5FFFF  }
0xad: {  	[dreg:$0x1] =	wrdreg $0xFFFFFFFF  }
0xae: {  	[dreg:$0x0] =	wrdreg $0x60  }
0xaf: {  	[dreg:$0x2] =	wrdreg s24  }
0xb0: {  	[dreg:$0x3] =	wrdreg s2  }
0xb1: {  	[dreg:$0x4] =	wrdreg s18  }
0xb2: {  	[dreg:$0x5] =	wrdreg $0x9  }
0xb3: {  	_ =	task.clear_ibuf [dreg:s8], $0x6FFFF;
	_ =	strace $0x90000046  }
0xb4: {  	s29 =	simm.s32 $0x9;
	_ =	strace $0x80000048  }
0xb5: {  	_ =	swait.ge [sflag:s29], $0x1  }
0xb6: {  	[sflag:s29] =	ssyncadd.s32 $0xFFFFFFFF  }
0xb7: {  	_ =	strace $0x90000048  }
0xb8: {  	_ =	sfence  }
0xb9: {  	s30 =	sld [smem:$0x0];
	_ =	sdelay $0x2  }
0xba: {  	s31 =	sshll.u32 s1, $0xD;
	s1 =	sshrl.u32 s1, $0x2  }
0xbb: {  	s3 =	sand.u32 $0x4000, s31;
	s1 =	sadd.s32 s1, s30  }
0xbc: {  	s0 =	sor.u32 s3, s0;
	s1 =	sshll.u32 s1, $0x11  }
0xbd: {  	s0 =	sor.u32 s1, s0  }
0xbe: {  	s0 =	sadd.s32 $0x8F2B, s0  }
0xbf: {  	[sflag:s0] =	ssyncadd.remote.s32 $0x1  }
0xc0: {  	_ =	sfence.sel $0xFFFF  }
0xc1: {  	[dreg:$0x0] =	wrdreg $0xFFFFFFFF;
	(pc) =	sbr.abs _section_cstart, $3  }
0xc2: {  	[dreg:$0x1] =	wrdreg $0xFFFFFFFF  }
0xc3: {  	_ =	task.clear_ibuf [dreg:s8], $0x2FFFF;
	_ =	strace $0x9FFFFFFF  }
0xc4: {  	(tm) =	ssettm $0x7FFFFFFF  }
0xc5: {  	_ =	shalt  }
tec
execute0_lowered:
.L_overlay_start_1:
0x0: {  	(tag) =	ssettag $0x1  }
0x1: {  	s0 =	rddreg [dreg:$0x0]  }
0x2: {  	s1 =	srdreg.scid;
	s2 =	stileid.u32  }
0x3: {  	s3 =	rddreg [dreg:$0x2];
	s4 =	simm.s32 $0x0;
	s14 =	simm.s32 $0x5  }
0x4: {  	s15 =	simm.s32 $0x1900;
	s16 =	simm.s32 $0x3200;
	s18 =	simm.s32 $0x80  }
0x5: {  	s28 =	simm.s32 $0x1;
	s29 =	simm.s32 $0xAB40;
	s30 =	simm.s32 $0x2  }
0x6: {  	s31 =	simm.s32 $0x12B40;
	s1 =	sand.u32 $0x1, s1;
	s2 =	sshll.u32 s2, $0x1  }
0x7: {  	[smem:$0x7FF] =	sst s4;
	s6 =	sadd.s32 $0x13E00, s0;
	s2 =	sor.u32 s1, s2  }
0x8: {  	s7 =	sadd.s32 $0x14E00, s0;
	s1 =	ssub.s32 $0x2, s1;
	s12 =	smul.u32 $0x1900, s2  }
0x9: {  	_ =	strace $0x80000047;
	s26 =	sshrl.u32 s1, $0x1;
	s11 =	smul.u32 $0x64000, s2  }
0xa: {  	s2 =	simm.s32 $0x0;
	s5 =	sshrl.u32 s12, $0x3;
	s12 =	sor.u32 $0x80, s12  }
0xb: {  	s10 =	sadd.s32 s5, s0;
	s5 =	sadd.s32 $0xF43600, s0;
	s0 =	ssub.s32 s1, s26  }
0xc: {  	s1 =	simm.s32 $0x3;
	s8 =	sadd.s32 $0xDA00, s10;
	s9 =	sadd.s32 $0x7600, s10  }
0xd: {  	s10 =	sadd.s32 $0x1200, s10;
	s13 =	smax.u32 s0, $0x1;
	s0 =	simm.s32 $0x4  }
.LBB2_1:
0xe: {  	[tilespmem:s4], [sflag:$0x5] =	stream.linear.gather [hbm4b:s8+s4], $0x1900, $0x38;
	[tilespmem:$0x14B40] =	vst v63  }
0xf: {  	_ =	swait.ge [sflag:s14], $0x1900  }
0x10: {  	[sflag:s14] =	ssyncset.done $0x0  }
0x11: {  	[sflag:s14] =	ssyncadd.s32 $0xFFFFE700  }
0x12: {  	[tilespmem:s15], [sflag:$0x5] =	stream.linear.gather [hbm4b:s9+s4], $0x1900, $0x38;
	[tilespmem:$0x14B40] =	vst v63  }
0x13: {  	_ =	swait.ge [sflag:s14], $0x1900  }
0x14: {  	[sflag:s14] =	ssyncset.done $0x0  }
0x15: {  	[sflag:s14] =	ssyncadd.s32 $0xFFFFE700  }
0x16: {  	[tilespmem:s16], [sflag:$0x5] =	stream.linear.gather [hbm4b:s10+s4], $0x1900, $0x38;
	[tilespmem:$0x14B40] =	vst v63  }
0x17: {  	_ =	swait.ge [sflag:s14], $0x1900  }
0x18: {  	[sflag:s14] =	ssyncset.done $0x0  }
0x19: {  	[sflag:s14] =	ssyncadd.s32 $0xFFFFE700  }
0x1a: {  	s19 =	simm.s32 $0x4B00;
	s17 =	rddreg [dreg:$0x1]  }
0x1b: {  	[tilespmem:s19], [sflag:$0x5] =	stream.linear.gather [hbm4b:s17+s4], $0x40, $0x38;
	[tilespmem:$0x14B40] =	vst v63  }
0x1c: {  	_ =	swait.ge [sflag:s14], $0x40  }
0x1d: {  	[sflag:s14] =	ssyncset.done $0x0  }
0x1e: {  	s19 =	simm.s32 $0x4B40;
	[sflag:s14] =	ssyncadd.s32 $0xFFFFFFC0  }
0x1f: {  	[tilespmem:s19], [sflag:$0x1] =	stream.indirect.gather [hbm4b:s5+s18], $0x40, s4, s18, $0xb8;
	[tilespmem:$0x14B40] =	vst v63  }
0x20: {  	s20 =	simm.s32 $0x6B40  }
0x21: {  	[tilespmem:s20], [sflag:$0x1] =	stream.indirect.gather [hbm4b:s6+s18], $0x40, s15, s18, $0xb8;
	[tilespmem:$0x14B40] =	vst v63  }
0x22: {  	s21 =	simm.s32 $0x8B40  }
0x23: {  	[tilespmem:s21], [sflag:$0x1] =	stream.indirect.gather [hbm4b:s7+s18], $0x40, s16, s18, $0xb8;
	[tilespmem:$0x14B40] =	vst v63  }
0x24: {  	s22 =	simm.s32 $0xCB40  }
0x25: {  	[tilespmem:s22], [sflag:$0x2] =	stream.indirect.gather [hbm4b:s5+s18], $0x40, s18, s18, $0xb8;
	[tilespmem:$0x14B40] =	vst v63  }
0x26: {  	s23 =	simm.s32 $0x1980;
	s24 =	simm.s32 $0xEB40  }
0x27: {  	[tilespmem:s24], [sflag:$0x2] =	stream.indirect.gather [hbm4b:s6+s18], $0x40, s23, s18, $0xb8;
	[tilespmem:$0x14B40] =	vst v63  }
0x28: {  	s25 =	simm.s32 $0x3280;
	s26 =	simm.s32 $0x10B40;
	s17 =	simm.s32 $0x0  }
0x29: {  	[tilespmem:s26], [sflag:$0x2] =	stream.indirect.gather [hbm4b:s7+s18], $0x40, s25, s18, $0xb8;
	[tilespmem:$0x14B40] =	vst v63  }
.LBB2_2:
0x2a: {  	_ =	swait.ge [sflag:s28], $0x2000  }
0x2b: {  	[sflag:s28] =	ssyncset.done $0x0  }
0x2c: {  	[sflag:s28] =	ssyncadd.s32 $0xFFFFE000  }
0x2d: {  	_ =	swait.ge [sflag:s28], $0x2000  }
0x2e: {  	[sflag:s28] =	ssyncset.done $0x0  }
0x2f: {  	[sflag:s28] =	ssyncadd.s32 $0xFFFFE000  }
0x30: {  	_ =	swait.ge [sflag:s28], $0x2000  }
0x31: {  	p1 =	seq.s32 s17, $0x0;
	[sflag:s28] =	ssyncset.done $0x0  }
0x32: {  	s19 =	simm.s32 @!p1 $0x3;
	[sflag:s28] =	ssyncadd.s32 $0xFFFFE000  }
0x33: {  	_ =	swait.ge @!p1 [sflag:s19], $0x2000  }
0x34: {  	[sflag:s19] =	ssyncset.done @!p1 $0x0  }
0x35: {  	[sflag:s19] =	ssyncadd.s32 @!p1 $0xFFFFE000  }
0x36: {  	v1 =	vld [tilespmem:$0x4B00]  }
0x37: {  	v2 =	vld [tilespmem:$0x4B10]  }
0x38: {  	s23 =	simm.s32 $0x4C40;
	v3 =	vld [tilespmem:$0x4B20]  }
0x39: {  	s20 =	simm.s32 $0x6C40;
	v4 =	vld [tilespmem:s23+$0xC0]  }
0x3a: {  	v5 =	vld [tilespmem:s20+$0xC0]  }
0x3b: {  	s21 =	simm.s32 $0x8C40;
	v0 =	vld [tilespmem:$0x4B30]  }
0x3c: {  	v6 =	vld [tilespmem:s21+$0xC0]  }
0x3d: {  	v7 =	vld [tilespmem:s20+$0xFFFFFF00]  }
0x3e: {  	v8 =	vld [tilespmem:s23+$0xFFFFFF40]  }
0x3f: {  	v9 =	vld [tilespmem:s20+$0xFFFFFF40]  }
0x40: {  	v10 =	vld [tilespmem:s20+$0xFFFFFF80]  }
0x41: {  	v11 =	vld [tilespmem:s20+$0xFFFFFFC0]  }
0x42: {  	v12 =	vld [tilespmem:s23+$0x0]  }
0x43: {  	v13 =	vld [tilespmem:s20+$0x0]  }
0x44: {  	v15 =	vld [tilespmem:s23+$0x40]  }
0x45: {  	v19 =	vld [tilespmem:s23+$0xFFFFFF00];
	v4 =	vadd.f32 v5, v4  }
0x46: {  	v17 =	vld [tilespmem:s20+$0x40]  }
0x47: {  	v20 =	vld [tilespmem:s21+$0xFFFFFF00];
	v4 =	vadd.f32 v6, v4  }
0x48: {  	v18 =	vld [tilespmem:s23+$0x80]  }
0x49: {  	v43 =	vld [tilespmem:s21+$0xFFFFFF40];
	v4 =	vadd.f32 v4, v1  }
0x4a: {  	s22 =	simm.s32 $0xAC40;
	v21 =	vld [tilespmem:s21+$0xFFFFFF80];
	v7 =	vadd.f32 v7, v19  }
0x4b: {  	v5 =	vld [tilespmem:s23+$0xFFFFFF80];
	[tilespmem:s22+$0xC0] =	vst v4  }
0x4c: {  	v8 =	vadd.f32 v9, v8;
	v7 =	vadd.f32 v20, v7;
	v4 =	vld [tilespmem:s23+$0xD0]  }
0x4d: {  	v14 =	vld [tilespmem:s20+$0xD0]  }
0x4e: {  	v6 =	vld [tilespmem:s23+$0xFFFFFFC0];
	v8 =	vadd.f32 v43, v8;
	v7 =	vadd.f32 v7, v1  }
0x4f: {  	v16 =	vld [tilespmem:s21+$0xD0]  }
0x50: {  	v44 =	vld [tilespmem:s21+$0xFFFFFFC0];
	v8 =	vadd.f32 v8, v1;
	[tilespmem:s22+$0xFFFFFF00] =	vst v7  }
0x51: {  	v5 =	vadd.f32 v10, v5;
	v7 =	vld [tilespmem:s23+$0xFFFFFF10]  }
0x52: {  	[tilespmem:s22+$0xFFFFFF40] =	vst v8;
	v8 =	vld [tilespmem:s20+$0xFFFFFF10];
	v4 =	vadd.f32 v14, v4  }
0x53: {  	v5 =	vadd.f32 v21, v5;
	v50 =	vld [tilespmem:s21+$0xFFFFFF10]  }
0x54: {  	v6 =	vadd.f32 v11, v6;
	v14 =	vld [tilespmem:s20+$0x80];
	v4 =	vadd.f32 v16, v4  }
0x55: {  	v45 =	vld [tilespmem:s21+$0x40];
	v5 =	vadd.f32 v5, v1  }
0x56: {  	v46 =	vld [tilespmem:s21+$0x80];
	v6 =	vadd.f32 v44, v6;
	v4 =	vadd.f32 v4, v2  }
0x57: {  	[tilespmem:s22+$0xFFFFFF80] =	vst v5;
	v5 =	vld [tilespmem:s20+$0xFFFFFF50];
	v7 =	vadd.f32 v8, v7  }
0x58: {  	v6 =	vadd.f32 v6, v1;
	v52 =	vld [tilespmem:s21+$0xFFFFFF90];
	[tilespmem:s22+$0xD0] =	vst v4  }
0x59: {  	v7 =	vadd.f32 v50, v7;
	v14 =	vadd.f32 v14, v18;
	v9 =	vld [tilespmem:s23+$0xE0]  }
0x5a: {  	v10 =	vld [tilespmem:s20+$0xE0]  }
0x5b: {  	[tilespmem:s22+$0xFFFFFFC0] =	vst v6;
	v6 =	vld [tilespmem:s20+$0xFFFFFF90];
	v7 =	vadd.f32 v7, v2;
	v14 =	vadd.f32 v46, v14  }
0x5c: {  	v11 =	vld [tilespmem:s21+$0xE0]  }
0x5d: {  	v4 =	vld [tilespmem:s21+$0x0];
	[tilespmem:s22+$0xFFFFFF10] =	vst v7;
	v14 =	vadd.f32 v14, v1  }
0x5e: {  	v56 =	vld [tilespmem:s21+$0xFFFFFF20]  }
0x5f: {  	[tilespmem:s22+$0x80] =	vst v14;
	v14 =	vld [tilespmem:s21+$0xFFFFFF50];
	v9 =	vadd.f32 v10, v9  }
0x60: {  	v10 =	vadd.f32 v13, v12;
	v12 =	vld [tilespmem:s23+$0xFFFFFF50]  }
0x61: {  	v13 =	vld [tilespmem:s23+$0xFFFFFFD0];
	v9 =	vadd.f32 v11, v9  }
0x62: {  	v8 =	vld [tilespmem:s23+$0x90]  }
0x63: {  	v11 =	vld [tilespmem:s23+$0xFFFFFF90];
	v4 =	vadd.f32 v4, v10;
	v9 =	vadd.f32 v9, v3  }
0x64: {  	v10 =	vadd.f32 v17, v15;
	v15 =	vld [tilespmem:s20+$0xFFFFFFD0]  }
0x65: {  	v4 =	vadd.f32 v4, v1;
	v5 =	vadd.f32 v5, v12;
	v12 =	vld [tilespmem:s20+$0x90];
	[tilespmem:s22+$0xE0] =	vst v9  }
0x66: {  	v9 =	vadd.f32 v45, v10;
	v10 =	vld [tilespmem:s23+$0xF0]  }
0x67: {  	[tilespmem:s22+$0x0] =	vst v4;
	v4 =	vld [tilespmem:s20+$0xF0]  }
0x68: {  	v47 =	vld [tilespmem:s23+$0x10]  }
0x69: {  	v48 =	vld [tilespmem:s21+$0xF0]  }
0x6a: {  	v6 =	vadd.f32 v6, v11;
	v11 =	vld [tilespmem:s21+$0xFFFFFFD0]  }
0x6b: {  	v53 =	vld [tilespmem:s21+$0x10];
	v9 =	vadd.f32 v9, v1  }
0x6c: {  	v13 =	vadd.f32 v15, v13;
	v15 =	vld [tilespmem:s21+$0x90]  }
0x6d: {  	v5 =	vadd.f32 v14, v5;
	[tilespmem:s22+$0x40] =	vst v9;
	v9 =	vld [tilespmem:s20+$0x10]  }
0x6e: {  	v49 =	vld [tilespmem:s23+$0x50]  }
0x6f: {  	v6 =	vadd.f32 v52, v6;
	v5 =	vadd.f32 v5, v2;
	v51 =	vld [tilespmem:s20+$0x50]  }
0x70: {  	v14 =	vld [tilespmem:s21+$0x50]  }
0x71: {  	v6 =	vadd.f32 v6, v2;
	[tilespmem:s22+$0xFFFFFF50] =	vst v5;
	v5 =	vld [tilespmem:s20+$0xFFFFFF20]  }
0x72: {  	v8 =	vadd.f32 v12, v8;
	v54 =	vld [tilespmem:s23+$0xFFFFFF60]  }
0x73: {  	v11 =	vadd.f32 v11, v13;
	[tilespmem:s22+$0xFFFFFF90] =	vst v6;
	v6 =	vld [tilespmem:s20+$0xFFFFFF60]  }
0x74: {  	v8 =	vadd.f32 v15, v8;
	v55 =	vld [tilespmem:s23+$0xFFFFFFA0]  }
0x75: {  	v11 =	vadd.f32 v11, v2;
	v58 =	vld [tilespmem:s21+$0xFFFFFFA0]  }
0x76: {  	v8 =	vadd.f32 v8, v2;
	v7 =	vadd.f32 v9, v47;
	v9 =	vld [tilespmem:s23+$0xFFFFFF20]  }
0x77: {  	[tilespmem:s22+$0xFFFFFFD0] =	vst v11;
	v11 =	vld [tilespmem:s20+$0xFFFFFFA0]  }
0x78: {  	[tilespmem:s22+$0x90] =	vst v8;
	v8 =	vld [tilespmem:s21+$0xFFFFFF60]  }
0x79: {  	v13 =	vadd.f32 v51, v49;
	v7 =	vadd.f32 v53, v7;
	v59 =	vld [tilespmem:s20+$0xA0]  }
0x7a: {  	v60 =	vld [tilespmem:s21+$0xFFFFFFE0]  }
0x7b: {  	v13 =	vadd.f32 v14, v13;
	v14 =	vld [tilespmem:s23+$0xFFFFFFE0];
	v7 =	vadd.f32 v7, v2  }
0x7c: {  	v5 =	vadd.f32 v5, v9;
	v9 =	vld [tilespmem:s23+$0xA0]  }
0x7d: {  	v6 =	vadd.f32 v6, v54;
	v12 =	vadd.f32 v13, v2;
	[tilespmem:s22+$0x10] =	vst v7;
	v7 =	vld [tilespmem:s20+$0xFFFFFFE0]  }
0x7e: {  	v13 =	vld [tilespmem:s23+$0x20]  }
0x7f: {  	v6 =	vadd.f32 v8, v6;
	[tilespmem:s22+$0x50] =	vst v12;
	v12 =	vld [tilespmem:s20+$0x20]  }
0x80: {  	v5 =	vadd.f32 v56, v5;
	v8 =	vld [tilespmem:s21+$0x20]  }
0x81: {  	v11 =	vadd.f32 v11, v55;
	v15 =	vld [tilespmem:s23+$0x60];
	v6 =	vadd.f32 v6, v3  }
0x82: {  	v57 =	vld [tilespmem:s20+$0x60];
	v5 =	vadd.f32 v5, v3  }
0x83: {  	v11 =	vadd.f32 v58, v11;
	[tilespmem:s22+$0xFFFFFF60] =	vst v6;
	v7 =	vadd.f32 v7, v14;
	v14 =	vld [tilespmem:s21+$0x60]  }
0x84: {  	[tilespmem:s22+$0xFFFFFF20] =	vst v5;
	v5 =	vld [tilespmem:s21+$0xA0]  }
0x85: {  	v11 =	vadd.f32 v11, v3;
	v61 =	vld [tilespmem:s23+$0xFFFFFF70]  }
0x86: {  	v62 =	vld [tilespmem:s20+$0xFFFFFF70];
	v12 =	vadd.f32 v12, v13;
	v7 =	vadd.f32 v60, v7  }
0x87: {  	v13 =	vld [tilespmem:s23+$0xFFFFFF30];
	v15 =	vadd.f32 v57, v15  }
0x88: {  	v6 =	vld [tilespmem:s20+$0xFFFFFF30];
	[tilespmem:s22+$0xFFFFFFA0] =	vst v11;
	v8 =	vadd.f32 v8, v12;
	v7 =	vadd.f32 v7, v3  }
0x89: {  	v9 =	vadd.f32 v59, v9;
	v63 =	vld [tilespmem:s23+$0xFFFFFFB0]  }
0x8a: {  	v11 =	vadd.f32 v14, v15;
	v8 =	vadd.f32 v8, v3;
	v14 =	vld [tilespmem:s20+$0xFFFFFFB0];
	[tilespmem:s22+$0xFFFFFFE0] =	vst v7  }
0x8b: {  	v5 =	vadd.f32 v5, v9;
	v15 =	vld [tilespmem:s23+$0xFFFFFFF0]  }
0x8c: {  	v7 =	vadd.f32 v4, v10;
	v9 =	vadd.f32 v11, v3;
	[tilespmem:s22+$0x20] =	vst v8;
	v8 =	vld [tilespmem:s20+$0xFFFFFFF0]  }
0x8d: {  	v4 =	vld [tilespmem:s23+$0x30]  }
0x8e: {  	v10 =	vadd.f32 v5, v3;
	v7 =	vadd.f32 v48, v7;
	v11 =	vld [tilespmem:s20+$0x30];
	[tilespmem:s22+$0x60] =	vst v9  }
0x8f: {  	v5 =	vld [tilespmem:s23+$0x70]  }
0x90: {  	[tilespmem:s22+$0xA0] =	vst v10;
	v9 =	vadd.f32 v7, v0;
	v12 =	vld [tilespmem:s20+$0x70]  }
0x91: {  	s25 =	simm.s32 $0x0;
	s26 =	simm.s32 $0x4E40;
	v10 =	vadd.f32 v6, v13;
	v7 =	vadd.f32 v62, v61;
	v6 =	vld [tilespmem:s23+$0xB0]  }
0x92: {  	s24 =	simm.s32 $0x8C40;
	s19 =	sshll.u32 s17, $0x8;
	v13 =	vld [tilespmem:s20+$0xB0];
	s23 =	simm.s32 $0xAC40;
	[tilespmem:s22+$0xF0] =	vst v9;
	v9 =	vadd.f32 v14, v63;
	v8 =	vadd.f32 v8, v15  }
.LBB2_3:
0x93: {  	v14 =	vld [tilespmem:s26+$0xC0];
	v4 =	vadd.f32 v11, v4;
	s20 =	sadd.s32 $0x200, s20  }
0x94: {  	v11 =	vld [tilespmem:s20+$0xC0]  }
0x95: {  	s21 =	sadd.s32 $0x200, s21;
	v15 =	vld [tilespmem:s20+$0xFFFFFF00];
	v5 =	vadd.f32 v12, v5  }
0x96: {  	v12 =	vld [tilespmem:s21+$0xC0]  }
0x97: {  	s25 =	sadd.s32 $0x8, s25;
	v16 =	vld [tilespmem:s26+$0xFFFFFF40];
	v6 =	vadd.f32 v13, v6  }
0x98: {  	p0 =	slt.u32 s25, $0x78;
	v13 =	vld [tilespmem:s20+$0xFFFFFF40]  }
0x99: {  	v17 =	vld [tilespmem:s26+$0xFFFFFF80];
	v11 =	vadd.f32 v11, v14  }
0x9a: {  	v14 =	vld [tilespmem:s20+$0xFFFFFF80]  }
0x9b: {  	v18 =	vld [tilespmem:s26+$0xFFFFFFC0];
	v11 =	vadd.f32 v12, v11  }
0x9c: {  	v12 =	vld [tilespmem:s20+$0xFFFFFFC0]  }
0x9d: {  	v13 =	vadd.f32 v13, v16;
	v16 =	vld [tilespmem:s26+$0x0];
	v11 =	vadd.f32 v11, v1  }
0x9e: {  	s22 =	sadd.s32 $0x200, s22;
	v19 =	vld [tilespmem:s20+$0x0]  }
0x9f: {  	v14 =	vadd.f32 v14, v17;
	v17 =	vld [tilespmem:s26+$0x40];
	[tilespmem:s22+$0xC0] =	vst v11  }
0xa0: {  	v11 =	vld [tilespmem:s26+$0xD0]  }
0xa1: {  	v12 =	vadd.f32 v12, v18;
	v18 =	vld [tilespmem:s20+$0xD0]  }
0xa2: {  	v20 =	vld [tilespmem:s20+$0x40]  }
0xa3: {  	v16 =	vadd.f32 v19, v16;
	v19 =	vld [tilespmem:s21+$0xD0]  }
0xa4: {  	v21 =	vld [tilespmem:s26+$0x80]  }
0xa5: {  	v22 =	vld [tilespmem:s20+$0x80]  }
0xa6: {  	v23 =	vld [tilespmem:s26+$0xFFFFFF00];
	v11 =	vadd.f32 v18, v11  }
0xa7: {  	v18 =	vld [tilespmem:s21+$0xFFFFFF00];
	v17 =	vadd.f32 v20, v17  }
0xa8: {  	v20 =	vld [tilespmem:s21+$0xFFFFFF40];
	v11 =	vadd.f32 v19, v11  }
0xa9: {  	v19 =	vld [tilespmem:s21+$0xFFFFFF80]  }
0xaa: {  	v24 =	vld [tilespmem:s21+$0xFFFFFFC0];
	v21 =	vadd.f32 v22, v21;
	v11 =	vadd.f32 v11, v2  }
0xab: {  	v15 =	vadd.f32 v15, v23;
	v22 =	vld [tilespmem:s21+$0x0]  }
0xac: {  	v23 =	vld [tilespmem:s21+$0x40];
	[tilespmem:s22+$0xD0] =	vst v11  }
0xad: {  	v11 =	vadd.f32 v18, v15;
	v13 =	vadd.f32 v20, v13;
	v15 =	vld [tilespmem:s26+$0xE0]  }
0xae: {  	v14 =	vadd.f32 v19, v14;
	v18 =	vld [tilespmem:s20+$0xE0]  }
0xaf: {  	v11 =	vadd.f32 v11, v1;
	v12 =	vadd.f32 v24, v12;
	v19 =	vld [tilespmem:s21+$0x80]  }
0xb0: {  	v13 =	vadd.f32 v13, v1;
	v16 =	vadd.f32 v22, v16;
	v20 =	vld [tilespmem:s21+$0xE0]  }
0xb1: {  	[tilespmem:s22+$0xFFFFFF00] =	vst v11;
	v11 =	vadd.f32 v14, v1;
	v14 =	vadd.f32 v23, v17;
	v17 =	vld [tilespmem:s24+$0xFFFFFF30]  }
0xb2: {  	v12 =	vadd.f32 v12, v1;
	v22 =	vld [tilespmem:s26+$0xFFFFFF10];
	[tilespmem:s22+$0xFFFFFF40] =	vst v13;
	v13 =	vadd.f32 v16, v1  }
0xb3: {  	v16 =	vld [tilespmem:s20+$0xFFFFFF10];
	[tilespmem:s22+$0xFFFFFF80] =	vst v11;
	v11 =	vadd.f32 v14, v1;
	v14 =	vadd.f32 v18, v15  }
0xb4: {  	v15 =	vld [tilespmem:s26+$0xFFFFFF50];
	[tilespmem:s22+$0xFFFFFFC0] =	vst v12;
	v12 =	vadd.f32 v19, v21  }
0xb5: {  	v18 =	vld [tilespmem:s20+$0xFFFFFF50];
	[tilespmem:s22+$0x0] =	vst v13;
	v13 =	vadd.f32 v20, v14  }
0xb6: {  	v14 =	vld [tilespmem:s26+$0xFFFFFF90];
	[tilespmem:s22+$0x40] =	vst v11;
	v11 =	vadd.f32 v12, v1;
	v10 =	vadd.f32 v17, v10  }
0xb7: {  	v12 =	vld [tilespmem:s20+$0xFFFFFF90];
	v13 =	vadd.f32 v13, v3  }
0xb8: {  	v16 =	vadd.f32 v16, v22;
	v17 =	vld [tilespmem:s26+$0xFFFFFFD0];
	[tilespmem:s22+$0x80] =	vst v11;
	v10 =	vadd.f32 v10, v0  }
0xb9: {  	v11 =	vld [tilespmem:s20+$0xFFFFFFD0];
	[tilespmem:s22+$0xE0] =	vst v13  }
0xba: {  	v13 =	vadd.f32 v18, v15;
	v15 =	vld [tilespmem:s26+$0xF0];
	[tilespmem:s23+$0xFFFFFF30] =	vst v10  }
0xbb: {  	v10 =	vld [tilespmem:s20+$0xF0]  }
0xbc: {  	v12 =	vadd.f32 v12, v14;
	v14 =	vld [tilespmem:s26+$0x10]  }
0xbd: {  	v18 =	vld [tilespmem:s21+$0xF0]  }
0xbe: {  	v11 =	vadd.f32 v11, v17;
	v17 =	vld [tilespmem:s20+$0x10]  }
0xbf: {  	v19 =	vld [tilespmem:s26+$0x50]  }
0xc0: {  	v20 =	vld [tilespmem:s20+$0x50];
	v10 =	vadd.f32 v10, v15  }
0xc1: {  	v15 =	vld [tilespmem:s26+$0x90]  }
0xc2: {  	v21 =	vld [tilespmem:s20+$0x90];
	v10 =	vadd.f32 v18, v10  }
0xc3: {  	v18 =	vld [tilespmem:s21+$0xFFFFFF10];
	v14 =	vadd.f32 v17, v14  }
0xc4: {  	v17 =	vld [tilespmem:s21+$0xFFFFFF50];
	v10 =	vadd.f32 v10, v0  }
0xc5: {  	v22 =	vld [tilespmem:s21+$0xFFFFFF90];
	v19 =	vadd.f32 v20, v19  }
0xc6: {  	v20 =	vld [tilespmem:s21+$0xFFFFFFD0];
	[tilespmem:s22+$0xF0] =	vst v10  }
0xc7: {  	v10 =	vld [tilespmem:s21+$0x10];
	v15 =	vadd.f32 v21, v15  }
0xc8: {  	v16 =	vadd.f32 v18, v16;
	v18 =	vld [tilespmem:s21+$0x50]  }
0xc9: {  	v13 =	vadd.f32 v17, v13;
	v17 =	vld [tilespmem:s21+$0x90]  }
0xca: {  	v16 =	vadd.f32 v16, v2;
	v12 =	vadd.f32 v22, v12;
	v21 =	vld [tilespmem:s24+$0xFFFFFF70]  }
0xcb: {  	v13 =	vadd.f32 v13, v2;
	v11 =	vadd.f32 v20, v11;
	v20 =	vld [tilespmem:s24+$0xFFFFFFB0]  }
0xcc: {  	[tilespmem:s22+$0xFFFFFF10] =	vst v16;
	v12 =	vadd.f32 v12, v2;
	v10 =	vadd.f32 v10, v14;
	v14 =	vld [tilespmem:s24+$0xFFFFFFF0]  }
0xcd: {  	v16 =	vld [tilespmem:s26+$0xFFFFFF20];
	[tilespmem:s22+$0xFFFFFF50] =	vst v13;
	v11 =	vadd.f32 v11, v2;
	v13 =	vadd.f32 v18, v19  }
0xce: {  	v18 =	vld [tilespmem:s20+$0xFFFFFF20];
	[tilespmem:s22+$0xFFFFFF90] =	vst v12;
	v10 =	vadd.f32 v10, v2;
	v12 =	vadd.f32 v17, v15  }
0xcf: {  	v15 =	vld [tilespmem:s26+$0xFFFFFF60];
	[tilespmem:s22+$0xFFFFFFD0] =	vst v11;
	v11 =	vadd.f32 v13, v2;
	v7 =	vadd.f32 v21, v7  }
0xd0: {  	v13 =	vld [tilespmem:s20+$0xFFFFFF60];
	[tilespmem:s22+$0x10] =	vst v10;
	v10 =	vadd.f32 v12, v2;
	v9 =	vadd.f32 v20, v9  }
0xd1: {  	v12 =	vld [tilespmem:s26+$0xFFFFFFA0];
	[tilespmem:s22+$0x50] =	vst v11;
	v7 =	vadd.f32 v7, v0;
	v8 =	vadd.f32 v14, v8  }
0xd2: {  	v11 =	vld [tilespmem:s20+$0xFFFFFFA0];
	[tilespmem:s22+$0x90] =	vst v10;
	v9 =	vadd.f32 v9, v0  }
0xd3: {  	v10 =	vadd.f32 v18, v16;
	v14 =	vld [tilespmem:s26+$0xFFFFFFE0];
	[tilespmem:s23+$0xFFFFFF70] =	vst v7;
	v7 =	vadd.f32 v8, v0  }
0xd4: {  	v8 =	vld [tilespmem:s20+$0xFFFFFFE0];
	[tilespmem:s23+$0xFFFFFFB0] =	vst v9  }
0xd5: {  	v9 =	vadd.f32 v13, v15;
	v13 =	vld [tilespmem:s26+$0x20];
	[tilespmem:s23+$0xFFFFFFF0] =	vst v7  }
0xd6: {  	v7 =	vld [tilespmem:s20+$0x20]  }
0xd7: {  	v11 =	vadd.f32 v11, v12;
	v12 =	vld [tilespmem:s26+$0x60]  }
0xd8: {  	v15 =	vld [tilespmem:s20+$0x60]  }
0xd9: {  	v8 =	vadd.f32 v8, v14;
	v14 =	vld [tilespmem:s26+$0xA0]  }
0xda: {  	v16 =	vld [tilespmem:s20+$0xA0]  }
0xdb: {  	v17 =	vld [tilespmem:s21+$0xFFFFFF20];
	v7 =	vadd.f32 v7, v13  }
0xdc: {  	v13 =	vld [tilespmem:s21+$0xFFFFFF60]  }
0xdd: {  	v18 =	vld [tilespmem:s21+$0xFFFFFFA0];
	v12 =	vadd.f32 v15, v12  }
0xde: {  	v15 =	vld [tilespmem:s21+$0xFFFFFFE0]  }
0xdf: {  	v19 =	vld [tilespmem:s21+$0x20];
	v14 =	vadd.f32 v16, v14  }
0xe0: {  	v10 =	vadd.f32 v17, v10;
	v16 =	vld [tilespmem:s21+$0x60]  }
0xe1: {  	v9 =	vadd.f32 v13, v9;
	v13 =	vld [tilespmem:s21+$0xA0]  }
0xe2: {  	v10 =	vadd.f32 v10, v3;
	v11 =	vadd.f32 v18, v11;
	v17 =	vld [tilespmem:s24+$0x30]  }
0xe3: {  	v9 =	vadd.f32 v9, v3;
	v8 =	vadd.f32 v15, v8;
	v15 =	vld [tilespmem:s24+$0x70]  }
0xe4: {  	[tilespmem:s22+$0xFFFFFF20] =	vst v10;
	v10 =	vadd.f32 v11, v3;
	v7 =	vadd.f32 v19, v7;
	v11 =	vld [tilespmem:s24+$0xB0];
	s24 =	smov.u32 s21  }
0xe5: {  	v18 =	vld [tilespmem:s26+$0xFFFFFF30];
	[tilespmem:s22+$0xFFFFFF60] =	vst v9;
	v8 =	vadd.f32 v8, v3;
	v9 =	vadd.f32 v16, v12  }
0xe6: {  	v12 =	vld [tilespmem:s20+$0xFFFFFF30];
	[tilespmem:s22+$0xFFFFFFA0] =	vst v10;
	v7 =	vadd.f32 v7, v3;
	v10 =	vadd.f32 v13, v14  }
0xe7: {  	v13 =	vld [tilespmem:s26+$0xFFFFFF70];
	[tilespmem:s22+$0xFFFFFFE0] =	vst v8;
	v8 =	vadd.f32 v9, v3;
	v4 =	vadd.f32 v17, v4  }
0xe8: {  	v9 =	vld [tilespmem:s20+$0xFFFFFF70];
	[tilespmem:s22+$0x20] =	vst v7;
	v7 =	vadd.f32 v10, v3;
	v5 =	vadd.f32 v15, v5  }
0xe9: {  	v14 =	vld [tilespmem:s26+$0xFFFFFFB0];
	[tilespmem:s22+$0x60] =	vst v8;
	v4 =	vadd.f32 v4, v0;
	v6 =	vadd.f32 v11, v6  }
0xea: {  	v8 =	vld [tilespmem:s20+$0xFFFFFFB0];
	[tilespmem:s22+$0xA0] =	vst v7;
	v5 =	vadd.f32 v5, v0  }
0xeb: {  	v10 =	vadd.f32 v12, v18;
	v15 =	vld [tilespmem:s26+$0xFFFFFFF0];
	[tilespmem:s23+$0x30] =	vst v4;
	v6 =	vadd.f32 v6, v0  }
0xec: {  	v16 =	vld [tilespmem:s20+$0xFFFFFFF0];
	[tilespmem:s23+$0x70] =	vst v5  }
0xed: {  	v7 =	vadd.f32 v9, v13;
	v4 =	vld [tilespmem:s26+$0x30];
	[tilespmem:s23+$0xB0] =	vst v6;
	s23 =	smov.u32 s22  }
.Ltmp0:
0xee: {  	v11 =	vld [tilespmem:s20+$0x30];
	(pc) =	sbr.rel @p0 .LBB2_3-.Ltmp0, $4  }
0xef: {  	v9 =	vadd.f32 v8, v14;
	v5 =	vld [tilespmem:s26+$0x70]  }
0xf0: {  	v12 =	vld [tilespmem:s20+$0x70]  }
0xf1: {  	v8 =	vadd.f32 v16, v15;
	v6 =	vld [tilespmem:s26+$0xB0]  }
0xf2: {  	s26 =	sadd.s32 $0x200, s26;
	v13 =	vld [tilespmem:s20+$0xB0]  }
0xf3: {  	v1 =	vld [tilespmem:s24+$0xFFFFFF30]  }
0xf4: {  	v2 =	vld [tilespmem:s24+$0xFFFFFF70]  }
0xf5: {  	v3 =	vld [tilespmem:s24+$0xFFFFFFB0]  }
0xf6: {  	v14 =	vld [tilespmem:s24+$0xFFFFFFF0]  }
0xf7: {  	v4 =	vadd.f32 v11, v4;
	v11 =	vld [tilespmem:s24+$0x30]  }
0xf8: {  	v5 =	vadd.f32 v12, v5;
	v1 =	vadd.f32 v1, v10;
	v10 =	vld [tilespmem:s24+$0x70]  }
0xf9: {  	v6 =	vadd.f32 v13, v6;
	v2 =	vadd.f32 v2, v7;
	v7 =	vld [tilespmem:s24+$0xB0]  }
0xfa: {  	v3 =	vadd.f32 v3, v9;
	v1 =	vadd.f32 v1, v0  }
0xfb: {  	v8 =	vadd.f32 v14, v8;
	v2 =	vadd.f32 v2, v0  }
0xfc: {  	[tilespmem:s23+$0xFFFFFF30] =	vst v1;
	v1 =	vadd.f32 v3, v0;
	v3 =	vadd.f32 v11, v4  }
0xfd: {  	[tilespmem:s23+$0xFFFFFF70] =	vst v2;
	v2 =	vadd.f32 v8, v0;
	v4 =	vadd.f32 v10, v5  }
0xfe: {  	[tilespmem:s23+$0xFFFFFFB0] =	vst v1;
	v1 =	vadd.f32 v3, v0;
	v3 =	vadd.f32 v7, v6  }
0xff: {  	[tilespmem:s23+$0xFFFFFFF0] =	vst v2;
	v2 =	vadd.f32 v4, v0  }
0x100: {  	[tilespmem:s23+$0x30] =	vst v1;
	v0 =	vadd.f32 v3, v0  }
0x101: {  	p0 =	seq.s32 s17, $0x18;
	[tilespmem:s23+$0x70] =	vst v2  }
0x102: {  	s20 =	sadd.s32 @!p0 $0x100, s19;
	s21 =	simm.s32 @!p0 $0x80;
	s22 =	simm.s32 @!p0 $0x4B40;
	[tilespmem:s23+$0xB0] =	vst v0  }
0x103: {  	[tilespmem:s22], [sflag:$0x1] =	stream.indirect.gather @!p0 [hbm4b:s5+s21], $0x40, s20, s21, $0xb8;
	[tilespmem:$0x14B40] =	vst v63  }
0x104: {  	s20 =	sadd.s32 @!p0 $0x1A00, s19;
	s22 =	simm.s32 @!p0 $0x6B40  }
0x105: {  	[tilespmem:s22], [sflag:$0x1] =	stream.indirect.gather @!p0 [hbm4b:s6+s21], $0x40, s20, s21, $0xb8;
	[tilespmem:$0x14B40] =	vst v63  }
0x106: {  	s25 =	sshll.u32 s17, $0xE;
	s20 =	sadd.s32 @!p0 $0x3300, s19;
	s22 =	simm.s32 @!p0 $0x8B40  }
0x107: {  	[tilespmem:s22], [sflag:$0x1] =	stream.indirect.gather @!p0 [hbm4b:s7+s21], $0x40, s20, s21, $0xb8;
	[tilespmem:$0x14B40] =	vst v63  }
0x108: {  	s20 =	sadd.s32 s11, s25  }
0x109: {  	s20 =	sshrl.u32 s20, $0x3  }
0x10a: {  	s20 =	sadd.s32 s3, s20  }
0x10b: {  	[hbm4b:s20+s4] =	stream.linear.scatter [tilespmem:s29], [sflag:$0x3], $0x2000, $0x38;
	[tilespmem:$0x14B40] =	vst v63  }
0x10c: {  	_ =	swait.ge [sflag:s30], $0x2000  }
0x10d: {  	[sflag:s30] =	ssyncset.done $0x0  }
0x10e: {  	[sflag:s30] =	ssyncadd.s32 $0xFFFFE000  }
0x10f: {  	_ =	swait.ge [sflag:s30], $0x2000  }
0x110: {  	[sflag:s30] =	ssyncset.done $0x0  }
0x111: {  	[sflag:s30] =	ssyncadd.s32 $0xFFFFE000  }
0x112: {  	_ =	swait.ge [sflag:s30], $0x2000  }
0x113: {  	[sflag:s30] =	ssyncset.done $0x0  }
0x114: {  	s20 =	simm.s32 @!p1 $0x4;
	[sflag:s30] =	ssyncadd.s32 $0xFFFFE000  }
0x115: {  	_ =	swait.ge @!p1 [sflag:s20], $0x2000  }
0x116: {  	[sflag:s20] =	ssyncset.done @!p1 $0x0  }
0x117: {  	[sflag:s20] =	ssyncadd.s32 @!p1 $0xFFFFE000  }
0x118: {  	v1 =	vld [tilespmem:$0x4B00]  }
0x119: {  	v2 =	vld [tilespmem:$0x4B10]  }
0x11a: {  	s26 =	simm.s32 $0xCC40;
	v3 =	vld [tilespmem:$0x4B20]  }
0x11b: {  	s20 =	simm.s32 $0xEC40;
	v4 =	vld [tilespmem:s26+$0xC0]  }
0x11c: {  	v5 =	vld [tilespmem:s20+$0xC0]  }
0x11d: {  	s21 =	simm.s32 $0x10C40;
	v0 =	vld [tilespmem:$0x4B30]  }
0x11e: {  	v6 =	vld [tilespmem:s21+$0xC0]  }
0x11f: {  	v7 =	vld [tilespmem:s20+$0xFFFFFF00]  }
0x120: {  	v8 =	vld [tilespmem:s26+$0xFFFFFF40]  }
0x121: {  	v9 =	vld [tilespmem:s20+$0xFFFFFF40]  }
0x122: {  	v10 =	vld [tilespmem:s20+$0xFFFFFF80]  }
0x123: {  	v11 =	vld [tilespmem:s20+$0xFFFFFFC0]  }
0x124: {  	v12 =	vld [tilespmem:s26+$0x0]  }
0x125: {  	v13 =	vld [tilespmem:s20+$0x0]  }
0x126: {  	v15 =	vld [tilespmem:s26+$0x40]  }
0x127: {  	v19 =	vld [tilespmem:s26+$0xFFFFFF00];
	v4 =	vadd.f32 v5, v4  }
0x128: {  	v17 =	vld [tilespmem:s20+$0x40]  }
0x129: {  	v20 =	vld [tilespmem:s21+$0xFFFFFF00];
	v4 =	vadd.f32 v6, v4  }
0x12a: {  	v18 =	vld [tilespmem:s26+$0x80]  }
0x12b: {  	v43 =	vld [tilespmem:s21+$0xFFFFFF40];
	v4 =	vadd.f32 v4, v1  }
0x12c: {  	s22 =	simm.s32 $0x12C40;
	v21 =	vld [tilespmem:s21+$0xFFFFFF80];
	v7 =	vadd.f32 v7, v19  }
0x12d: {  	v5 =	vld [tilespmem:s26+$0xFFFFFF80];
	[tilespmem:s22+$0xC0] =	vst v4  }
0x12e: {  	v8 =	vadd.f32 v9, v8;
	v7 =	vadd.f32 v20, v7;
	v4 =	vld [tilespmem:s26+$0xD0]  }
0x12f: {  	v14 =	vld [tilespmem:s20+$0xD0]  }
0x130: {  	v6 =	vld [tilespmem:s26+$0xFFFFFFC0];
	v8 =	vadd.f32 v43, v8;
	v7 =	vadd.f32 v7, v1  }
0x131: {  	v16 =	vld [tilespmem:s21+$0xD0]  }
0x132: {  	v44 =	vld [tilespmem:s21+$0xFFFFFFC0];
	v8 =	vadd.f32 v8, v1;
	[tilespmem:s22+$0xFFFFFF00] =	vst v7  }
0x133: {  	v5 =	vadd.f32 v10, v5;
	v7 =	vld [tilespmem:s26+$0xFFFFFF10]  }
0x134: {  	[tilespmem:s22+$0xFFFFFF40] =	vst v8;
	v8 =	vld [tilespmem:s20+$0xFFFFFF10];
	v4 =	vadd.f32 v14, v4  }
0x135: {  	v5 =	vadd.f32 v21, v5;
	v50 =	vld [tilespmem:s21+$0xFFFFFF10]  }
0x136: {  	v6 =	vadd.f32 v11, v6;
	v14 =	vld [tilespmem:s20+$0x80];
	v4 =	vadd.f32 v16, v4  }
0x137: {  	v45 =	vld [tilespmem:s21+$0x40];
	v5 =	vadd.f32 v5, v1  }
0x138: {  	v46 =	vld [tilespmem:s21+$0x80];
	v6 =	vadd.f32 v44, v6;
	v4 =	vadd.f32 v4, v2  }
0x139: {  	[tilespmem:s22+$0xFFFFFF80] =	vst v5;
	v5 =	vld [tilespmem:s20+$0xFFFFFF50];
	v7 =	vadd.f32 v8, v7  }
0x13a: {  	v6 =	vadd.f32 v6, v1;
	v52 =	vld [tilespmem:s21+$0xFFFFFF90];
	[tilespmem:s22+$0xD0] =	vst v4  }
0x13b: {  	v7 =	vadd.f32 v50, v7;
	v14 =	vadd.f32 v14, v18;
	v9 =	vld [tilespmem:s26+$0xE0]  }
0x13c: {  	v10 =	vld [tilespmem:s20+$0xE0]  }
0x13d: {  	[tilespmem:s22+$0xFFFFFFC0] =	vst v6;
	v6 =	vld [tilespmem:s20+$0xFFFFFF90];
	v7 =	vadd.f32 v7, v2;
	v14 =	vadd.f32 v46, v14  }
0x13e: {  	v11 =	vld [tilespmem:s21+$0xE0]  }
0x13f: {  	v4 =	vld [tilespmem:s21+$0x0];
	[tilespmem:s22+$0xFFFFFF10] =	vst v7;
	v14 =	vadd.f32 v14, v1  }
0x140: {  	v56 =	vld [tilespmem:s21+$0xFFFFFF20]  }
0x141: {  	[tilespmem:s22+$0x80] =	vst v14;
	v14 =	vld [tilespmem:s21+$0xFFFFFF50];
	v9 =	vadd.f32 v10, v9  }
0x142: {  	v10 =	vadd.f32 v13, v12;
	v12 =	vld [tilespmem:s26+$0xFFFFFF50]  }
0x143: {  	v13 =	vld [tilespmem:s26+$0xFFFFFFD0];
	v9 =	vadd.f32 v11, v9  }
0x144: {  	v8 =	vld [tilespmem:s26+$0x90]  }
0x145: {  	v11 =	vld [tilespmem:s26+$0xFFFFFF90];
	v4 =	vadd.f32 v4, v10;
	v9 =	vadd.f32 v9, v3  }
0x146: {  	v10 =	vadd.f32 v17, v15;
	v15 =	vld [tilespmem:s20+$0xFFFFFFD0]  }
0x147: {  	v4 =	vadd.f32 v4, v1;
	v5 =	vadd.f32 v5, v12;
	v12 =	vld [tilespmem:s20+$0x90];
	[tilespmem:s22+$0xE0] =	vst v9  }
0x148: {  	v9 =	vadd.f32 v45, v10;
	v10 =	vld [tilespmem:s26+$0xF0]  }
0x149: {  	[tilespmem:s22+$0x0] =	vst v4;
	v4 =	vld [tilespmem:s20+$0xF0]  }
0x14a: {  	v47 =	vld [tilespmem:s26+$0x10]  }
0x14b: {  	v48 =	vld [tilespmem:s21+$0xF0]  }
0x14c: {  	v6 =	vadd.f32 v6, v11;
	v11 =	vld [tilespmem:s21+$0xFFFFFFD0]  }
0x14d: {  	v53 =	vld [tilespmem:s21+$0x10];
	v9 =	vadd.f32 v9, v1  }
0x14e: {  	v13 =	vadd.f32 v15, v13;
	v15 =	vld [tilespmem:s21+$0x90]  }
0x14f: {  	v5 =	vadd.f32 v14, v5;
	[tilespmem:s22+$0x40] =	vst v9;
	v9 =	vld [tilespmem:s20+$0x10]  }
0x150: {  	v49 =	vld [tilespmem:s26+$0x50]  }
0x151: {  	v6 =	vadd.f32 v52, v6;
	v5 =	vadd.f32 v5, v2;
	v51 =	vld [tilespmem:s20+$0x50]  }
0x152: {  	v14 =	vld [tilespmem:s21+$0x50]  }
0x153: {  	v6 =	vadd.f32 v6, v2;
	[tilespmem:s22+$0xFFFFFF50] =	vst v5;
	v5 =	vld [tilespmem:s20+$0xFFFFFF20]  }
0x154: {  	v8 =	vadd.f32 v12, v8;
	v54 =	vld [tilespmem:s26+$0xFFFFFF60]  }
0x155: {  	v11 =	vadd.f32 v11, v13;
	[tilespmem:s22+$0xFFFFFF90] =	vst v6;
	v6 =	vld [tilespmem:s20+$0xFFFFFF60]  }
0x156: {  	v8 =	vadd.f32 v15, v8;
	v55 =	vld [tilespmem:s26+$0xFFFFFFA0]  }
0x157: {  	v11 =	vadd.f32 v11, v2;
	v58 =	vld [tilespmem:s21+$0xFFFFFFA0]  }
0x158: {  	v8 =	vadd.f32 v8, v2;
	v7 =	vadd.f32 v9, v47;
	v9 =	vld [tilespmem:s26+$0xFFFFFF20]  }
0x159: {  	[tilespmem:s22+$0xFFFFFFD0] =	vst v11;
	v11 =	vld [tilespmem:s20+$0xFFFFFFA0]  }
0x15a: {  	[tilespmem:s22+$0x90] =	vst v8;
	v8 =	vld [tilespmem:s21+$0xFFFFFF60]  }
0x15b: {  	v13 =	vadd.f32 v51, v49;
	v7 =	vadd.f32 v53, v7;
	v59 =	vld [tilespmem:s20+$0xA0]  }
0x15c: {  	v60 =	vld [tilespmem:s21+$0xFFFFFFE0]  }
0x15d: {  	v13 =	vadd.f32 v14, v13;
	v14 =	vld [tilespmem:s26+$0xFFFFFFE0];
	v7 =	vadd.f32 v7, v2  }
0x15e: {  	v5 =	vadd.f32 v5, v9;
	v9 =	vld [tilespmem:s26+$0xA0]  }
0x15f: {  	v6 =	vadd.f32 v6, v54;
	v12 =	vadd.f32 v13, v2;
	[tilespmem:s22+$0x10] =	vst v7;
	v7 =	vld [tilespmem:s20+$0xFFFFFFE0]  }
0x160: {  	v13 =	vld [tilespmem:s26+$0x20]  }
0x161: {  	v6 =	vadd.f32 v8, v6;
	[tilespmem:s22+$0x50] =	vst v12;
	v12 =	vld [tilespmem:s20+$0x20]  }
0x162: {  	v5 =	vadd.f32 v56, v5;
	v8 =	vld [tilespmem:s21+$0x20]  }
0x163: {  	v11 =	vadd.f32 v11, v55;
	v15 =	vld [tilespmem:s26+$0x60];
	v6 =	vadd.f32 v6, v3  }
0x164: {  	v57 =	vld [tilespmem:s20+$0x60];
	v5 =	vadd.f32 v5, v3  }
0x165: {  	v11 =	vadd.f32 v58, v11;
	[tilespmem:s22+$0xFFFFFF60] =	vst v6;
	v7 =	vadd.f32 v7, v14;
	v14 =	vld [tilespmem:s21+$0x60]  }
0x166: {  	[tilespmem:s22+$0xFFFFFF20] =	vst v5;
	v5 =	vld [tilespmem:s21+$0xA0]  }
0x167: {  	v11 =	vadd.f32 v11, v3;
	v61 =	vld [tilespmem:s26+$0xFFFFFF70]  }
0x168: {  	v62 =	vld [tilespmem:s20+$0xFFFFFF70];
	v12 =	vadd.f32 v12, v13;
	v7 =	vadd.f32 v60, v7  }
0x169: {  	v13 =	vld [tilespmem:s26+$0xFFFFFF30];
	v15 =	vadd.f32 v57, v15  }
0x16a: {  	v6 =	vld [tilespmem:s20+$0xFFFFFF30];
	[tilespmem:s22+$0xFFFFFFA0] =	vst v11;
	v8 =	vadd.f32 v8, v12;
	v7 =	vadd.f32 v7, v3  }
0x16b: {  	v9 =	vadd.f32 v59, v9;
	v63 =	vld [tilespmem:s26+$0xFFFFFFB0]  }
0x16c: {  	v11 =	vadd.f32 v14, v15;
	v8 =	vadd.f32 v8, v3;
	v14 =	vld [tilespmem:s20+$0xFFFFFFB0];
	[tilespmem:s22+$0xFFFFFFE0] =	vst v7  }
0x16d: {  	v5 =	vadd.f32 v5, v9;
	v15 =	vld [tilespmem:s26+$0xFFFFFFF0]  }
0x16e: {  	v7 =	vadd.f32 v4, v10;
	v9 =	vadd.f32 v11, v3;
	[tilespmem:s22+$0x20] =	vst v8;
	v8 =	vld [tilespmem:s20+$0xFFFFFFF0]  }
0x16f: {  	v4 =	vld [tilespmem:s26+$0x30]  }
0x170: {  	v10 =	vadd.f32 v5, v3;
	v7 =	vadd.f32 v48, v7;
	v11 =	vld [tilespmem:s20+$0x30];
	[tilespmem:s22+$0x60] =	vst v9  }
0x171: {  	v5 =	vld [tilespmem:s26+$0x70]  }
0x172: {  	[tilespmem:s22+$0xA0] =	vst v10;
	v9 =	vadd.f32 v7, v0;
	v12 =	vld [tilespmem:s20+$0x70]  }
0x173: {  	s24 =	simm.s32 $0x10C40;
	v10 =	vadd.f32 v6, v13;
	v7 =	vadd.f32 v62, v61;
	v6 =	vld [tilespmem:s26+$0xB0]  }
0x174: {  	s23 =	simm.s32 $0x12C40;
	s25 =	simm.s32 $0x0;
	v13 =	vld [tilespmem:s20+$0xB0];
	s26 =	simm.s32 $0xCE40;
	[tilespmem:s22+$0xF0] =	vst v9;
	v9 =	vadd.f32 v14, v63;
	v8 =	vadd.f32 v8, v15  }
.LBB2_5:
0x175: {  	v14 =	vld [tilespmem:s26+$0xC0];
	v4 =	vadd.f32 v11, v4;
	s20 =	sadd.s32 $0x200, s20  }
0x176: {  	v11 =	vld [tilespmem:s20+$0xC0]  }
0x177: {  	s21 =	sadd.s32 $0x200, s21;
	v15 =	vld [tilespmem:s20+$0xFFFFFF00];
	v5 =	vadd.f32 v12, v5  }
0x178: {  	v12 =	vld [tilespmem:s21+$0xC0]  }
0x179: {  	s25 =	sadd.s32 $0x8, s25;
	v16 =	vld [tilespmem:s26+$0xFFFFFF40];
	v6 =	vadd.f32 v13, v6  }
0x17a: {  	p1 =	slt.u32 s25, $0x78;
	v13 =	vld [tilespmem:s20+$0xFFFFFF40]  }
0x17b: {  	v17 =	vld [tilespmem:s26+$0xFFFFFF80];
	v11 =	vadd.f32 v11, v14  }
0x17c: {  	v14 =	vld [tilespmem:s20+$0xFFFFFF80]  }
0x17d: {  	v18 =	vld [tilespmem:s26+$0xFFFFFFC0];
	v11 =	vadd.f32 v12, v11  }
0x17e: {  	v12 =	vld [tilespmem:s20+$0xFFFFFFC0]  }
0x17f: {  	v13 =	vadd.f32 v13, v16;
	v16 =	vld [tilespmem:s26+$0x0];
	v11 =	vadd.f32 v11, v1  }
0x180: {  	s22 =	sadd.s32 $0x200, s22;
	v19 =	vld [tilespmem:s20+$0x0]  }
0x181: {  	v14 =	vadd.f32 v14, v17;
	v17 =	vld [tilespmem:s26+$0x40];
	[tilespmem:s22+$0xC0] =	vst v11  }
0x182: {  	v11 =	vld [tilespmem:s26+$0xD0]  }
0x183: {  	v12 =	vadd.f32 v12, v18;
	v18 =	vld [tilespmem:s20+$0xD0]  }
0x184: {  	v20 =	vld [tilespmem:s20+$0x40]  }
0x185: {  	v16 =	vadd.f32 v19, v16;
	v19 =	vld [tilespmem:s21+$0xD0]  }
0x186: {  	v21 =	vld [tilespmem:s26+$0x80]  }
0x187: {  	v22 =	vld [tilespmem:s20+$0x80]  }
0x188: {  	v23 =	vld [tilespmem:s26+$0xFFFFFF00];
	v11 =	vadd.f32 v18, v11  }
0x189: {  	v18 =	vld [tilespmem:s21+$0xFFFFFF00];
	v17 =	vadd.f32 v20, v17  }
0x18a: {  	v20 =	vld [tilespmem:s21+$0xFFFFFF40];
	v11 =	vadd.f32 v19, v11  }
0x18b: {  	v19 =	vld [tilespmem:s21+$0xFFFFFF80]  }
0x18c: {  	v24 =	vld [tilespmem:s21+$0xFFFFFFC0];
	v21 =	vadd.f32 v22, v21;
	v11 =	vadd.f32 v11, v2  }
0x18d: {  	v15 =	vadd.f32 v15, v23;
	v22 =	vld [tilespmem:s21+$0x0]  }
0x18e: {  	v23 =	vld [tilespmem:s21+$0x40];
	[tilespmem:s22+$0xD0] =	vst v11  }
0x18f: {  	v11 =	vadd.f32 v18, v15;
	v13 =	vadd.f32 v20, v13;
	v15 =	vld [tilespmem:s26+$0xE0]  }
0x190: {  	v14 =	vadd.f32 v19, v14;
	v18 =	vld [tilespmem:s20+$0xE0]  }
0x191: {  	v11 =	vadd.f32 v11, v1;
	v12 =	vadd.f32 v24, v12;
	v19 =	vld [tilespmem:s21+$0x80]  }
0x192: {  	v13 =	vadd.f32 v13, v1;
	v16 =	vadd.f32 v22, v16;
	v20 =	vld [tilespmem:s21+$0xE0]  }
0x193: {  	[tilespmem:s22+$0xFFFFFF00] =	vst v11;
	v11 =	vadd.f32 v14, v1;
	v14 =	vadd.f32 v23, v17;
	v17 =	vld [tilespmem:s24+$0xFFFFFF30]  }
0x194: {  	v12 =	vadd.f32 v12, v1;
	v22 =	vld [tilespmem:s26+$0xFFFFFF10];
	[tilespmem:s22+$0xFFFFFF40] =	vst v13;
	v13 =	vadd.f32 v16, v1  }
0x195: {  	v16 =	vld [tilespmem:s20+$0xFFFFFF10];
	[tilespmem:s22+$0xFFFFFF80] =	vst v11;
	v11 =	vadd.f32 v14, v1;
	v14 =	vadd.f32 v18, v15  }
0x196: {  	v15 =	vld [tilespmem:s26+$0xFFFFFF50];
	[tilespmem:s22+$0xFFFFFFC0] =	vst v12;
	v12 =	vadd.f32 v19, v21  }
0x197: {  	v18 =	vld [tilespmem:s20+$0xFFFFFF50];
	[tilespmem:s22+$0x0] =	vst v13;
	v13 =	vadd.f32 v20, v14  }
0x198: {  	v14 =	vld [tilespmem:s26+$0xFFFFFF90];
	[tilespmem:s22+$0x40] =	vst v11;
	v11 =	vadd.f32 v12, v1;
	v10 =	vadd.f32 v17, v10  }
0x199: {  	v12 =	vld [tilespmem:s20+$0xFFFFFF90];
	v13 =	vadd.f32 v13, v3  }
0x19a: {  	v16 =	vadd.f32 v16, v22;
	v17 =	vld [tilespmem:s26+$0xFFFFFFD0];
	[tilespmem:s22+$0x80] =	vst v11;
	v10 =	vadd.f32 v10, v0  }
0x19b: {  	v11 =	vld [tilespmem:s20+$0xFFFFFFD0];
	[tilespmem:s22+$0xE0] =	vst v13  }
0x19c: {  	v13 =	vadd.f32 v18, v15;
	v15 =	vld [tilespmem:s26+$0xF0];
	[tilespmem:s23+$0xFFFFFF30] =	vst v10  }
0x19d: {  	v10 =	vld [tilespmem:s20+$0xF0]  }
0x19e: {  	v12 =	vadd.f32 v12, v14;
	v14 =	vld [tilespmem:s26+$0x10]  }
0x19f: {  	v18 =	vld [tilespmem:s21+$0xF0]  }
0x1a0: {  	v11 =	vadd.f32 v11, v17;
	v17 =	vld [tilespmem:s20+$0x10]  }
0x1a1: {  	v19 =	vld [tilespmem:s26+$0x50]  }
0x1a2: {  	v20 =	vld [tilespmem:s20+$0x50];
	v10 =	vadd.f32 v10, v15  }
0x1a3: {  	v15 =	vld [tilespmem:s26+$0x90]  }
0x1a4: {  	v21 =	vld [tilespmem:s20+$0x90];
	v10 =	vadd.f32 v18, v10  }
0x1a5: {  	v18 =	vld [tilespmem:s21+$0xFFFFFF10];
	v14 =	vadd.f32 v17, v14  }
0x1a6: {  	v17 =	vld [tilespmem:s21+$0xFFFFFF50];
	v10 =	vadd.f32 v10, v0  }
0x1a7: {  	v22 =	vld [tilespmem:s21+$0xFFFFFF90];
	v19 =	vadd.f32 v20, v19  }
0x1a8: {  	v20 =	vld [tilespmem:s21+$0xFFFFFFD0];
	[tilespmem:s22+$0xF0] =	vst v10  }
0x1a9: {  	v10 =	vld [tilespmem:s21+$0x10];
	v15 =	vadd.f32 v21, v15  }
0x1aa: {  	v16 =	vadd.f32 v18, v16;
	v18 =	vld [tilespmem:s21+$0x50]  }
0x1ab: {  	v13 =	vadd.f32 v17, v13;
	v17 =	vld [tilespmem:s21+$0x90]  }
0x1ac: {  	v16 =	vadd.f32 v16, v2;
	v12 =	vadd.f32 v22, v12;
	v21 =	vld [tilespmem:s24+$0xFFFFFF70]  }
0x1ad: {  	v13 =	vadd.f32 v13, v2;
	v11 =	vadd.f32 v20, v11;
	v20 =	vld [tilespmem:s24+$0xFFFFFFB0]  }
0x1ae: {  	[tilespmem:s22+$0xFFFFFF10] =	vst v16;
	v12 =	vadd.f32 v12, v2;
	v10 =	vadd.f32 v10, v14;
	v14 =	vld [tilespmem:s24+$0xFFFFFFF0]  }
0x1af: {  	v16 =	vld [tilespmem:s26+$0xFFFFFF20];
	[tilespmem:s22+$0xFFFFFF50] =	vst v13;
	v11 =	vadd.f32 v11, v2;
	v13 =	vadd.f32 v18, v19  }
0x1b0: {  	v18 =	vld [tilespmem:s20+$0xFFFFFF20];
	[tilespmem:s22+$0xFFFFFF90] =	vst v12;
	v10 =	vadd.f32 v10, v2;
	v12 =	vadd.f32 v17, v15  }
0x1b1: {  	v15 =	vld [tilespmem:s26+$0xFFFFFF60];
	[tilespmem:s22+$0xFFFFFFD0] =	vst v11;
	v11 =	vadd.f32 v13, v2;
	v7 =	vadd.f32 v21, v7  }
0x1b2: {  	v13 =	vld [tilespmem:s20+$0xFFFFFF60];
	[tilespmem:s22+$0x10] =	vst v10;
	v10 =	vadd.f32 v12, v2;
	v9 =	vadd.f32 v20, v9  }
0x1b3: {  	v12 =	vld [tilespmem:s26+$0xFFFFFFA0];
	[tilespmem:s22+$0x50] =	vst v11;
	v7 =	vadd.f32 v7, v0;
	v8 =	vadd.f32 v14, v8  }
0x1b4: {  	v11 =	vld [tilespmem:s20+$0xFFFFFFA0];
	[tilespmem:s22+$0x90] =	vst v10;
	v9 =	vadd.f32 v9, v0  }
0x1b5: {  	v10 =	vadd.f32 v18, v16;
	v14 =	vld [tilespmem:s26+$0xFFFFFFE0];
	[tilespmem:s23+$0xFFFFFF70] =	vst v7;
	v7 =	vadd.f32 v8, v0  }
0x1b6: {  	v8 =	vld [tilespmem:s20+$0xFFFFFFE0];
	[tilespmem:s23+$0xFFFFFFB0] =	vst v9  }
0x1b7: {  	v9 =	vadd.f32 v13, v15;
	v13 =	vld [tilespmem:s26+$0x20];
	[tilespmem:s23+$0xFFFFFFF0] =	vst v7  }
0x1b8: {  	v7 =	vld [tilespmem:s20+$0x20]  }
0x1b9: {  	v11 =	vadd.f32 v11, v12;
	v12 =	vld [tilespmem:s26+$0x60]  }
0x1ba: {  	v15 =	vld [tilespmem:s20+$0x60]  }
0x1bb: {  	v8 =	vadd.f32 v8, v14;
	v14 =	vld [tilespmem:s26+$0xA0]  }
0x1bc: {  	v16 =	vld [tilespmem:s20+$0xA0]  }
0x1bd: {  	v17 =	vld [tilespmem:s21+$0xFFFFFF20];
	v7 =	vadd.f32 v7, v13  }
0x1be: {  	v13 =	vld [tilespmem:s21+$0xFFFFFF60]  }
0x1bf: {  	v18 =	vld [tilespmem:s21+$0xFFFFFFA0];
	v12 =	vadd.f32 v15, v12  }
0x1c0: {  	v15 =	vld [tilespmem:s21+$0xFFFFFFE0]  }
0x1c1: {  	v19 =	vld [tilespmem:s21+$0x20];
	v14 =	vadd.f32 v16, v14  }
0x1c2: {  	v10 =	vadd.f32 v17, v10;
	v16 =	vld [tilespmem:s21+$0x60]  }
0x1c3: {  	v9 =	vadd.f32 v13, v9;
	v13 =	vld [tilespmem:s21+$0xA0]  }
0x1c4: {  	v10 =	vadd.f32 v10, v3;
	v11 =	vadd.f32 v18, v11;
	v17 =	vld [tilespmem:s24+$0x30]  }
0x1c5: {  	v9 =	vadd.f32 v9, v3;
	v8 =	vadd.f32 v15, v8;
	v15 =	vld [tilespmem:s24+$0x70]  }
0x1c6: {  	[tilespmem:s22+$0xFFFFFF20] =	vst v10;
	v10 =	vadd.f32 v11, v3;
	v7 =	vadd.f32 v19, v7;
	v11 =	vld [tilespmem:s24+$0xB0];
	s24 =	smov.u32 s21  }
0x1c7: {  	v18 =	vld [tilespmem:s26+$0xFFFFFF30];
	[tilespmem:s22+$0xFFFFFF60] =	vst v9;
	v8 =	vadd.f32 v8, v3;
	v9 =	vadd.f32 v16, v12  }
0x1c8: {  	v12 =	vld [tilespmem:s20+$0xFFFFFF30];
	[tilespmem:s22+$0xFFFFFFA0] =	vst v10;
	v7 =	vadd.f32 v7, v3;
	v10 =	vadd.f32 v13, v14  }
0x1c9: {  	v13 =	vld [tilespmem:s26+$0xFFFFFF70];
	[tilespmem:s22+$0xFFFFFFE0] =	vst v8;
	v8 =	vadd.f32 v9, v3;
	v4 =	vadd.f32 v17, v4  }
0x1ca: {  	v9 =	vld [tilespmem:s20+$0xFFFFFF70];
	[tilespmem:s22+$0x20] =	vst v7;
	v7 =	vadd.f32 v10, v3;
	v5 =	vadd.f32 v15, v5  }
0x1cb: {  	v14 =	vld [tilespmem:s26+$0xFFFFFFB0];
	[tilespmem:s22+$0x60] =	vst v8;
	v4 =	vadd.f32 v4, v0;
	v6 =	vadd.f32 v11, v6  }
0x1cc: {  	v8 =	vld [tilespmem:s20+$0xFFFFFFB0];
	[tilespmem:s22+$0xA0] =	vst v7;
	v5 =	vadd.f32 v5, v0  }
0x1cd: {  	v10 =	vadd.f32 v12, v18;
	v15 =	vld [tilespmem:s26+$0xFFFFFFF0];
	[tilespmem:s23+$0x30] =	vst v4;
	v6 =	vadd.f32 v6, v0  }
0x1ce: {  	v16 =	vld [tilespmem:s20+$0xFFFFFFF0];
	[tilespmem:s23+$0x70] =	vst v5  }
0x1cf: {  	v7 =	vadd.f32 v9, v13;
	v4 =	vld [tilespmem:s26+$0x30];
	[tilespmem:s23+$0xB0] =	vst v6;
	s23 =	smov.u32 s22  }
.Ltmp1:
0x1d0: {  	v11 =	vld [tilespmem:s20+$0x30];
	(pc) =	sbr.rel @p1 .LBB2_5-.Ltmp1, $4  }
0x1d1: {  	v9 =	vadd.f32 v8, v14;
	v5 =	vld [tilespmem:s26+$0x70]  }
0x1d2: {  	v12 =	vld [tilespmem:s20+$0x70]  }
0x1d3: {  	v8 =	vadd.f32 v16, v15;
	v6 =	vld [tilespmem:s26+$0xB0]  }
0x1d4: {  	s26 =	sadd.s32 $0x200, s26;
	v13 =	vld [tilespmem:s20+$0xB0]  }
0x1d5: {  	v1 =	vld [tilespmem:s24+$0xFFFFFF30]  }
0x1d6: {  	v2 =	vld [tilespmem:s24+$0xFFFFFF70]  }
0x1d7: {  	v3 =	vld [tilespmem:s24+$0xFFFFFFB0]  }
0x1d8: {  	v14 =	vld [tilespmem:s24+$0xFFFFFFF0]  }
0x1d9: {  	v4 =	vadd.f32 v11, v4;
	v53 =	vld [tilespmem:s24+$0x30]  }
0x1da: {  	v54 =	vld [tilespmem:s24+$0x70];
	v5 =	vadd.f32 v12, v5;
	v1 =	vadd.f32 v1, v10  }
0x1db: {  	v55 =	vld [tilespmem:s24+$0xB0];
	v6 =	vadd.f32 v13, v6;
	v2 =	vadd.f32 v2, v7  }
0x1dc: {  	v3 =	vadd.f32 v3, v9;
	v1 =	vadd.f32 v1, v0  }
0x1dd: {  	v8 =	vadd.f32 v14, v8;
	v2 =	vadd.f32 v2, v0  }
0x1de: {  	v57 =	vadd.f32 v53, v4;
	v56 =	vadd.f32 v3, v0;
	[tilespmem:s23+$0xFFFFFF30] =	vst v1  }
0x1df: {  	v59 =	vadd.f32 v54, v5;
	v58 =	vadd.f32 v8, v0;
	[tilespmem:s23+$0xFFFFFF70] =	vst v2  }
0x1e0: {  	v61 =	vadd.f32 v55, v6;
	v60 =	vadd.f32 v57, v0;
	[tilespmem:s23+$0xFFFFFFB0] =	vst v56  }
0x1e1: {  	v62 =	vadd.f32 v59, v0;
	[tilespmem:s23+$0xFFFFFFF0] =	vst v58  }
0x1e2: {  	v63 =	vadd.f32 v61, v0;
	[tilespmem:s23+$0x30] =	vst v60  }
0x1e3: {  	[tilespmem:s23+$0x70] =	vst v62  }
0x1e4: {  	s20 =	sadd.s32 @!p0 $0x180, s19;
	s21 =	simm.s32 @!p0 $0x80;
	s22 =	simm.s32 @!p0 $0xCB40;
	[tilespmem:s23+$0xB0] =	vst v63  }
0x1e5: {  	[tilespmem:s22], [sflag:$0x2] =	stream.indirect.gather @!p0 [hbm4b:s5+s21], $0x40, s20, s21, $0xb8;
	[tilespmem:$0x14B40] =	vst v63  }
0x1e6: {  	s20 =	sadd.s32 @!p0 $0x1A80, s19;
	s22 =	simm.s32 @!p0 $0xEB40  }
0x1e7: {  	[tilespmem:s22], [sflag:$0x2] =	stream.indirect.gather @!p0 [hbm4b:s6+s21], $0x40, s20, s21, $0xb8;
	[tilespmem:$0x14B40] =	vst v63  }
0x1e8: {  	s17 =	sadd.s32 $0x1, s17;
	s20 =	sadd.s32 @!p0 $0x3380, s19;
	s22 =	simm.s32 @!p0 $0x10B40  }
0x1e9: {  	[tilespmem:s22], [sflag:$0x2] =	stream.indirect.gather @!p0 [hbm4b:s7+s21], $0x40, s20, s21, $0xb8;
	[tilespmem:$0x14B40] =	vst v63  }
0x1ea: {  	p0 =	sne.s32 s17, $0x19  }
.Ltmp2:
0x1eb: {  	s26 =	sadd.s32 s19, s12;
	(pc) =	sbr.rel @p0 .LBB2_2-.Ltmp2, $4  }
0x1ec: {  	s19 =	sshll.u32 s26, $0x3  }
0x1ed: {  	s19 =	sand.u32 $0x1FFFFC00, s19  }
0x1ee: {  	s19 =	sadd.s32 s3, s19  }
0x1ef: {  	[hbm4b:s19+s4] =	stream.linear.scatter [tilespmem:s31], [sflag:$0x4], $0x2000, $0x38;
	[tilespmem:$0x14B40] =	vst v63  }
0x1f0: {  	s2 =	sadd.s32 $0x1, s2  }
0x1f1: {  	_ =	swait.ge [sflag:s1], $0x2000;
	p0 =	sne.s32 s2, s13  }
.Ltmp3:
0x1f2: {  	[sflag:s1] =	ssyncset.done $0x0;
	(pc) =	sbr.rel @p0 .LBB2_1-.Ltmp3, $4  }
0x1f3: {  	[sflag:s1] =	ssyncadd.s32 $0xFFFFE000  }
0x1f4: {  	_ =	swait.ge [sflag:s0], $0x2000  }
0x1f5: {  	[sflag:s0] =	ssyncset.done $0x0  }
0x1f6: {  	[sflag:s0] =	ssyncadd.s32 $0xFFFFE000  }
0x1f7: {  	_ =	sfence.sel $0x180000  }
0x1f8: {  	[bflag:$0x0] =	sbarrier.arrive $0xFFFF  }
0x1f9: {  	_ =	strace $0x90000047  }
0x1fa: {  	s0 =	stileid.u32;
	[bflag:$0x2] =	sbarrier.arrive $0xFFFF  }
0x1fb: {  	p0 =	sne.s32 s0, $0x0;
	s0 =	rddreg [dreg:$0x3]  }
0x1fc: {  	s0 =	sadd.s32 @!p0 $0x100000, s0  }
0x1fd: {  	[sflag:s0] =	ssyncadd.tile.s32 @!p0 $0x1;
	_ =	shalt  }
.Lfunc_end2:
_tile_overlayer_lowered:
.L_overlay_start_2:
0x1fe: {  	(tag) =	ssettag $0x2  }
0x1ff: {  	s0 =	rddreg [dreg:$0x0];
	s2 =	stileid.u32  }
0x200: {  	s1 =	rddreg [dreg:$0x1];
	p0 =	sne.s32 s2, $0x0  }
0x201: {  	s3 =	rddreg [dreg:$0x2];
	[bflag:$0x3] =	sbarrier.arrive $0xFFFF;
	s2 =	simm.s32 @!p0 $0x1C05  }
0x202: {  	[timem:s3], [sflag:s2] =	dma.local @!p0 [hbm:s0], s1  }
0x203: {  	s0 =	simm.s32 @!p0 $0x5  }
0x204: {  	_ =	swait.ge @!p0 [sflag:s0], s1  }
0x205: {  	s1 =	ssub.s32 @!p0 $0x0, s1;
	[sflag:s0] =	ssyncset.done @!p0 $0x0  }
0x206: {  	[sflag:s0] =	ssyncadd.s32 @!p0 s1  }
0x207: {  	[bflag:$0x3] =	sbarrier.arrive $0xFFFF  }
0x208: {  	_ =	shalt  }

// kernel: sparse-core-data-format-call.cloned.1.call-start
scs
called_computation_lowered:
.L_overlay_start_0:
0x0: {  	s2 =	sld [smem:$0x3FD9]  }
0x1: {  	s3 =	sld [smem:$0x3FFE];
	_ =	sdelay $0x1  }
0x2: {  	s1 =	srdreg.scid  }
0x3: {  	s0 =	sand.u32 $0x1, s1  }
0x4: {  	s18 =	sshll.u32 s0, $0xA;
	s2 =	sadd.s32 s3, s2  }
0x5: {  	s2 =	sadd.s32 s2, s18  }
0x6: {  	[smem:$0x3FC1] =	sst s2  }
0x7: {  	_ = 	snop  }
0x8: {  	s2 =	sld [smem:$0x3FD0];
	(tm) =	ssettm $0x1  }
0x9: {  	s19 =	sld [smem:$0x3FFB];
	_ =	sdelay $0x3  }
0xa: {  	_ =	strace s19  }
0xb: {  	s3 =	sld [smem:$0x3FFC];
	_ =	sdelay $0x3  }
0xc: {  	_ =	strace s3  }
0xd: {  	s3 =	sld [smem:$0x3FFD];
	_ =	sdelay $0x3  }
0xe: {  	_ =	strace s3  }
0xf: {  	_ =	strace $0x8FFFFFFF  }
0x10: {  	s20 =	sld [smem:$0x3FDB];
	_ =	sdelay $0x1  }
0x11: {  	s4 =	simm.s32 $_scs_section_size  }
0x12: {  	s5 =	simm.s32 $_size__tile_overlayer_lowered;
	s6 =	simm.s32 $_tile_overlayer_lowered  }
0x13: {  	s23 =	simm.s32 $0x1BFF;
	s22 =	sshll.u32 s6, $0x1;
	s3 =	sadd.s32 s4, s20  }
0x14: {  	s7 =	simm.s32 $0x0;
	s21 =	sshll.u32 s5, $0x1;
	s5 =	sadd.s32 s22, s3  }
0x15: {  	[timem:s7], [sflag:s23] =	dma.local [hbm:s5], s21  }
0x16: {  	_ =	swait.ge [sflag:s23], s21  }
0x17: {  	s4 =	ssub.s32 $0x0, s21;
	[sflag:s23] =	ssyncset.done $0x0  }
0x18: {  	[sflag:s23] =	ssyncadd.s32 s4;
	_ =	sdelay $0x1  }
0x19: {  	s24 =	simm.s32 $0x1B8B  }
0x1a: {  	_ =	swait.ge [sflag:s24], $0x1  }
0x1b: {  	[sflag:s24] =	ssyncset.done $0x0  }
0x1c: {  	s26 =	simm.s32 $0x1B8E;
	s25 =	sld [smem:$0x3FFE];
	[sflag:s24] =	ssyncadd.s32 $0xFFFFFFFF  }
0x1d: {  	s27 =	simm.s32 $execute0_lowered;
	[smem:$0x3FD2] =	sst s26  }
0x1e: {  	s5 =	sshll.u32 s27, $0x1;
	_ =	strace $0x80000049;
	[dreg:$0x1] =	wrdreg $0xFFFFFFFF  }
0x1f: {  	s28 =	simm.s32 $_size_execute0_lowered;
	s3 =	sadd.s32 s3, s5;
	[dreg:$0x0] =	wrdreg $0x0  }
0x20: {  	s5 =	sshll.u32 s28, $0x1;
	[dreg:$0x2] =	wrdreg s3  }
0x21: {  	[dreg:$0x3] =	wrdreg s5  }
0x22: {  	[dreg:$0x4] =	wrdreg $0xC0  }
0x23: {  	_ =	task [dreg:s7], $0x5FFFF  }
0x24: {  	[dreg:$0x1] =	wrdreg $0xFFFFFFFF  }
0x25: {  	[dreg:$0x0] =	wrdreg $0x60  }
0x26: {  	[dreg:$0x2] =	wrdreg s25  }
0x27: {  	[dreg:$0x3] =	wrdreg s2  }
0x28: {  	[dreg:$0x4] =	wrdreg $0x9  }
0x29: {  	_ =	task.clear_ibuf [dreg:s7], $0x5FFFF;
	_ =	strace $0x90000049  }
0x2a: {  	s29 =	simm.s32 $0x9;
	_ =	strace $0x8000004B  }
0x2b: {  	_ =	swait.ge [sflag:s29], $0x1  }
0x2c: {  	[sflag:s29] =	ssyncadd.s32 $0xFFFFFFFF  }
0x2d: {  	_ =	strace $0x9000004B  }
0x2e: {  	_ =	sfence  }
0x2f: {  	s30 =	sld [smem:$0x0];
	_ =	sdelay $0x2  }
0x30: {  	s31 =	sshll.u32 s1, $0xD;
	s1 =	sshrl.u32 s1, $0x2  }
0x31: {  	s3 =	sand.u32 $0x4000, s31;
	s1 =	sadd.s32 s1, s30  }
0x32: {  	s0 =	sor.u32 s3, s0;
	s1 =	sshll.u32 s1, $0x11  }
0x33: {  	s0 =	sor.u32 s1, s0  }
0x34: {  	s0 =	sadd.s32 $0x8F2B, s0  }
0x35: {  	[sflag:s0] =	ssyncadd.remote.s32 $0x1  }
0x36: {  	_ =	sfence.sel $0xFFFF  }
0x37: {  	[dreg:$0x0] =	wrdreg $0xFFFFFFFF;
	(pc) =	sbr.abs _section_cstart, $3  }
0x38: {  	[dreg:$0x1] =	wrdreg $0xFFFFFFFF  }
0x39: {  	_ =	task.clear_ibuf [dreg:s7], $0x2FFFF;
	_ =	strace $0x9FFFFFFF  }
0x3a: {  	(tm) =	ssettm $0x7FFFFFFF  }
0x3b: {  	_ =	shalt  }
tec
execute0_lowered:
.L_overlay_start_1:
0x0: {  	(tag) =	ssettag $0x1  }
0x1: {  	s0 =	stileid.u32;
	s6 =	rddreg [dreg:$0x0]  }
0x2: {  	s2 =	rddreg [dreg:$0x1];
	s5 =	srdreg.scid  }
0x3: {  	s31 =	simm.s32 $0x2;
	s13 =	simm.s32 $0x0;
	s1 =	sshll.u32 s0, $0x7  }
0x4: {  	s14 =	simm.s32 $0x0;
	s12 =	simm.s32 $0x0;
	s3 =	sand.u32 $0x380, s1  }
0x5: {  	s5 =	sshll.u32 s5, $0x4;
	s6 =	sadd.s32 $0x1200, s6;
	s4 =	ssub.s32 $0x400, s3  }
0x6: {  	s1 =	rddreg [dreg:$0x2];
	_ =	strace $0x8000004A;
	s7 =	sand.u32 $0x380, s4  }
0x7: {  	s5 =	sand.u32 $0x10, s5;
	p0 =	sne.s32 s7, $0x0;
	s7 =	simm.s32 $0x1  }
.Ltmp0:
0x8: {  	s8 =	sshrl.u32 s4, $0xA;
	s7 =	simm.s32 @!p0 $0x0;
	(pc) =	sbr.rel .LBB1_1-.Ltmp0, $4  }
0x9: {  	s9 =	sor.u32 s0, s5;
	s4 =	simm.s32 $0x1;
	s30 =	sadd.s32 s7, s8  }
0xa: {  	s11 =	smov.u32 s3;
	[sflag:s4] =	ssyncpa.u1 $0x0;
	s5 =	smul.u32 $0x32, s30  }
0xb: {  	[sflag:s31] =	ssyncpa.u1 $0x0;
	p0 =	por $0x0, $0x0;
	s7 =	sshrl.u32 s9, $0x3  }
0xc: {  	s9 =	simm.s32 $0x2000;
	s10 =	smov.u32 s7;
	s8 =	sor.u32 $0x1, s5  }
.LBB1_4:
0xd: {  	s17 =	sand.u32 $0x1F80, s14;
	s13 =	sshll.u32 s13, $0xD  }
0xe: {  	[tilespmem:s16+$0x810 ss:$0x81] =	vst.msk $0xffff, v2;
	s18 =	sshrl.u32 s14, $0x3;
	s31 =	sand.u32 $0x7, s14;
	s17 =	sadd.s32 s2, s17  }
0xf: {  	[tilespmem:s16+$0x1020 ss:$0x81] =	vst.msk $0xffff, v0;
	s18 =	sand.u32 $0xF, s18;
	s14 =	sshll.u32 s31, $0x12;
	s13 =	sadd.s32 s13, s17  }
0x10: {  	[tilespmem:s16+$0x0 ss:$0x81] =	vst.msk $0xffff, v1;
	s14 =	sor.u32 $0x400, s14;
	s13 =	sadd.s32 s18, s13  }
0x11: {  	[hbm4b:s13+s14] =	stream.strided.scatter [tilespmem:s15], [sflag:$0x2], $0x2000, s9, s14, $0x20;
	[tilespmem:$0x8080] =	vst v63  }
.LBB1_5:
0x12: {  	s15 =	sadd.s32 $0x4, s10  }
0x13: {  	s13 =	sadd.s32 $0x400, s11;
	s17 =	smov.u32 s11;
	p2 =	sgt.s32 s15, $0xC7  }
0x14: {  	s17 =	smov.u32 @p2 s13  }
0x15: {  	s15 =	smov.u32 @p2 s7;
	p2 =	sgt.s32 s17, $0x3FF  }
0x16: {  	s17 =	smov.u32 @p2 s3;
	p2 =	sne.s32 s12, s8  }
.Ltmp1:
0x17: {  	p1 =	slt.u32 s12, $0x2;
	(pc) =	sbr.rel @!p2 .LBB1_6-.Ltmp1, $4  }
0x18: {  	s16 =	simm.s32 @!p1 $0x2  }
0x19: {  	s14 =	smov.u32 s11;
	p0 =	por !p0, !p0;
	_ =	swait.ge @!p1 [sflag:s16], $0x2000  }
0x1a: {  	s13 =	smov.u32 s10;
	[sflag:s16] =	ssyncset.done @!p1 $0x0;
	s10 =	smov.u32 s15  }
0x1b: {  	s12 =	sadd.s32 $0x1, s12;
	[sflag:s16] =	ssyncadd.s32 @!p1 $0xFFFFE000;
	s11 =	smov.u32 s17  }
.LBB1_1:
0x1c: {  	p1 =	sge.u32 s12, s5  }
0x1d: {  	s15 =	sand.u32 @!p1 $0x1FFFFFF, s10  }
0x1e: {  	s16 =	smulhi.u32 @!p1 $0x147AE15, s15;
	_ =	sdelay $0x1  }
0x1f: {  	s16 =	smul.u32 @!p1 $0xC8, s16  }
0x20: {  	s17 =	sxor.u32 @!p1 $0xFFFFFFFF, s12;
	s18 =	smul.u32 @!p1 $0xC80, s11  }
0x21: {  	s31 =	sadd.s32 $0xFFFFFFFF, s12;
	s17 =	sshll.u32 @!p1 s17, $0xD;
	s15 =	ssub.s32 @!p1 s15, s16  }
0x22: {  	s16 =	sand.u32 @!p1 $0x2000, s17;
	s17 =	sadd.s32 @!p1 s6, s18;
	s15 =	sshll.u32 @!p1 s15, $0x4  }
0x23: {  	s18 =	simm.s32 @!p1 $0x6400;
	s15 =	sadd.s32 @!p1 s15, s17;
	s17 =	simm.s32 @!p1 $0x40  }
0x24: {  	[tilespmem:s16], [sflag:$0x1] =	stream.strided.gather @!p1 [hbm4b:s15+s17], $0x2000, s18, s17, $0x38;
	[tilespmem:$0x8080] =	vst v63  }
0x25: {  	p1 =	sge.u32 s31, s5  }
.Ltmp2:
0x26: {  	_ = 	snop;
	(pc) =	sbr.rel @p1 .LBB1_5-.Ltmp2, $1  }
0x27: {  	_ =	sdelay $0x3  }
0x28: {  	s15 =	simm.s32 $0x1  }
0x29: {  	_ =	swait.ge [sflag:s4], $0x2000;
	s15 =	simm.s32 @!p0 $0x0  }
0x2a: {  	[sflag:s4] =	ssyncset.done $0x0;
	s16 =	sshll.u32 s15, $0xD  }
0x2b: {  	[sflag:s4] =	ssyncadd.s32 $0xFFFFE000;
	s19 =	sor.u32 $0x20, s16  }
0x2c: {  	s15 =	smul.u32 $0x8100, s15;
	v3 =	vld [tilespmem:s19+$0x10]  }
0x2d: {  	s30 =	sand.u32 $0x1, s12;
	v2 =	vld [tilespmem:s19+$0xFFFFFFF0]  }
0x2e: {  	s16 =	smul.u32 $0x8100, s30;
	s15 =	sshrl.u32 s15, $0x2;
	v0 =	vld [tilespmem:s19+$0x0]  }
0x2f: {  	v1 =	vld [tilespmem:s19+$0xFFFFFFE0];
	s17 =	sor.u32 $0x4000, s15  }
0x30: {  	s31 =	sshrl.u32 s16, $0x2;
	s16 =	sadd.s32 $0x0, s17  }
0x31: {  	s18 =	simm.s32 $0x4;
	s19 =	sadd.s32 $0x40, s19;
	s15 =	sor.u32 $0x4000, s31;
	[tilespmem:s16+$0x1830 ss:$0x81] =	vst.msk $0xffff, v3  }
.LBB1_3:
0x32: {  	v3 =	vld [tilespmem:s19+$0x10];
	p1 =	sne.s32 s18, $0x1FC;
	[tilespmem:s16+$0x810 ss:$0x81] =	vst.msk $0xffff, v2;
	s20 =	smov.u32 s18;
	s18 =	sadd.s32 $0x4, s18  }
.Ltmp3:
0x33: {  	v2 =	vld [tilespmem:s19+$0xFFFFFFF0];
	[tilespmem:s16+$0x1020 ss:$0x81] =	vst.msk $0xffff, v0;
	(pc) =	sbr.rel @p1 .LBB1_3-.Ltmp3, $4  }
0x34: {  	v0 =	vld [tilespmem:s19+$0x0];
	[tilespmem:s16+$0x0 ss:$0x81] =	vst.msk $0xffff, v1  }
0x35: {  	s16 =	sshra.s32 s20, $0x2;
	v1 =	vld [tilespmem:s19+$0xFFFFFFE0]  }
0x36: {  	s16 =	sadd.s32 s16, s17  }
0x37: {  	s19 =	sadd.s32 $0x40, s19;
	[tilespmem:s16+$0x1830 ss:$0x81] =	vst.msk $0xffff, v3  }
.Ltmp4:
0x38: {  	_ = 	snop;
	(pc) =	sbr.rel .LBB1_4-.Ltmp4, $1  }
0x39: {  	_ =	sdelay $0x3  }
.LBB1_6:
0x3a: {  	_ =	sfence.sel $0x180000  }
0x3b: {  	s2 =	simm.s32 $0x1;
	[bflag:$0x0] =	sbarrier.arrive $0xFFFF  }
0x3c: {  	s31 =	simm.s32 $0x2;
	[sflag:s2] =	ssyncpa.u1 $0x1  }
0x3d: {  	[sflag:s31] =	ssyncpa.u1 $0x1  }
0x3e: {  	p0 =	sne.s32 s0, $0x0;
	_ =	strace $0x9000004A  }
0x3f: {  	s0 =	sadd.s32 @!p0 $0x100000, s1;
	[bflag:$0x2] =	sbarrier.arrive $0xFFFF  }
0x40: {  	[sflag:s0] =	ssyncadd.tile.s32 @!p0 $0x1;
	_ =	shalt  }
.Lfunc_end1:
_tile_overlayer_lowered:
.L_overlay_start_2:
0x41: {  	(tag) =	ssettag $0x2  }
0x42: {  	s0 =	rddreg [dreg:$0x0];
	s2 =	stileid.u32  }
0x43: {  	s1 =	rddreg [dreg:$0x1];
	p0 =	sne.s32 s2, $0x0  }
0x44: {  	s3 =	rddreg [dreg:$0x2];
	[bflag:$0x3] =	sbarrier.arrive $0xFFFF;
	s2 =	simm.s32 @!p0 $0x1C01  }
0x45: {  	[timem:s3], [sflag:s2] =	dma.local @!p0 [hbm:s0], s1  }
0x46: {  	s0 =	simm.s32 @!p0 $0x1  }
0x47: {  	_ =	swait.ge @!p0 [sflag:s0], s1  }
0x48: {  	s1 =	ssub.s32 @!p0 $0x0, s1;
	[sflag:s0] =	ssyncset.done @!p0 $0x0  }
0x49: {  	[sflag:s0] =	ssyncadd.s32 @!p0 s1  }
0x4a: {  	[bflag:$0x3] =	sbarrier.arrive $0xFFFF  }
0x4b: {  	_ =	shalt  }

</sc_bundles>
